<compile_context>
chip_gen: v7x
topology: tpu7x:2x2x1
jax: 0.10.2.dev20260603
libtpu: 0.0.44.dev20260713+nightly
codegen_flags: <defaults>
</compile_context>

<pallas_src>
import functools

import jax
import jax.numpy as jnp
from jax.experimental import pallas as pl
from jax.experimental.pallas import tpu as pltpu

_T = 256
_TB = 1024


def _segment_matmul_kernel(ti_ref, ei_ref, sr_ref, er_ref,
                           hs_ref, cw_ref, cb_ref, out_ref):
    T = hs_ref.shape[0]
    g = pl.program_id(0)
    start = sr_ref[g]
    end = er_ref[g]

    @pl.when(end > start)
    def _():
        x = hs_ref[...].astype(jnp.bfloat16)
        w = cw_ref[0].astype(jnp.bfloat16)
        logits = jnp.dot(x, w, preferred_element_type=jnp.float32) + cb_ref[0]
        r_iota = jax.lax.broadcasted_iota(jnp.int32, (T, 1), 0)
        active = (r_iota >= start) & (r_iota < end)
        out_ref[...] = jnp.where(active, logits, out_ref[...])


def _lse_rows(logits):
    m = jnp.max(logits, axis=1, keepdims=True)
    return jnp.log(jnp.sum(jnp.exp(logits - m), axis=1, keepdims=True)) + m


def _epilogue_kernel(cl_ref, hs_ref, wr_ref, br_ref, rc_ref, out_ref):
    T = cl_ref.shape[0]
    E = cl_ref.shape[1]
    b = pl.program_id(0)

    @pl.when(b == 0)
    def _():
        out_ref[0] = jnp.float32(0.0)

    c_iota = jax.lax.broadcasted_iota(jnp.int32, (T, E), 1)
    rc = rc_ref[:, 0:1]
    cl = cl_ref[...]
    c_lse = _lse_rows(cl)
    c_tgt = jnp.sum(jnp.where(c_iota == (rc & 0xFFFF), cl, 0.0),
                    axis=1, keepdims=True)
    x = hs_ref[...].astype(jnp.bfloat16)
    rl = jnp.dot(x, wr_ref[...].astype(jnp.bfloat16),
                 preferred_element_type=jnp.float32) + br_ref[...]
    r_lse = _lse_rows(rl)
    r_tgt = jnp.sum(jnp.where(c_iota == (rc >> 16), rl, 0.0),
                    axis=1, keepdims=True)
    out_ref[0] += jnp.sum((c_lse - c_tgt) + (r_lse - r_tgt))


def kernel(hidden_states, target_ids, W_row, b_row, col_weight, col_bias):
    E, D = W_row.shape
    Bb, S, _ = hidden_states.shape
    N = Bb * S
    T = _T
    num_tiles = N // T
    G = num_tiles + E

    ids = target_ids.reshape(-1).astype(jnp.int32)
    row_ids = ids // E
    col_ids = ids % E

    sort_idx = jnp.argsort(row_ids).astype(jnp.int32)
    row_sorted = jnp.take(row_ids, sort_idx)
    col_sorted = jnp.take(col_ids, sort_idx)
    hs_flat = hidden_states.reshape(N, D)
    hs_sorted = jnp.take(hs_flat, sort_idx, axis=0)

    counts = jnp.zeros((E,), jnp.int32).at[row_ids].add(1)
    offsets = (jnp.cumsum(counts) - counts).astype(jnp.int32)
    tile_starts = jnp.arange(num_tiles, dtype=jnp.int32) * T
    seg_starts = jnp.sort(jnp.concatenate([tile_starts, offsets]))
    seg_ends = jnp.concatenate([seg_starts[1:], jnp.array([N], jnp.int32)])
    tile_of = jnp.minimum(seg_starts // T, num_tiles - 1)
    expert_of = jnp.take(row_sorted, jnp.minimum(seg_starts, N - 1))
    start_rel = seg_starts - tile_of * T
    end_rel = seg_ends - tile_of * T

    cb3 = col_bias.reshape(E, 1, E)

    seg_spec = pltpu.PrefetchScalarGridSpec(
        num_scalar_prefetch=4,
        grid=(G,),
        in_specs=[
            pl.BlockSpec((T, D), lambda g, ti, ei, sr, er: (ti[g], 0)),
            pl.BlockSpec((1, D, E), lambda g, ti, ei, sr, er: (ei[g], 0, 0)),
            pl.BlockSpec((1, 1, E), lambda g, ti, ei, sr, er: (ei[g], 0, 0)),
        ],
        out_specs=pl.BlockSpec((T, E), lambda g, ti, ei, sr, er: (ti[g], 0)),
    )
    col_logits = pl.pallas_call(
        _segment_matmul_kernel,
        grid_spec=seg_spec,
        out_shape=jax.ShapeDtypeStruct((N, E), jnp.float32),
    )(tile_of, expert_of, start_rel, end_rel, hs_sorted, col_weight, cb3)

    rc = (row_sorted << 16) | col_sorted
    rc_bcast = jnp.broadcast_to(rc[:, None], (N, 128))
    w_row_t = W_row.T
    b_row2 = b_row.reshape(1, E)

    TB = _TB
    nb = N // TB
    total = pl.pallas_call(
        _epilogue_kernel,
        grid=(nb,),
        in_specs=[
            pl.BlockSpec((TB, E), lambda b: (b, 0)),
            pl.BlockSpec((TB, D), lambda b: (b, 0)),
            pl.BlockSpec((D, E), lambda b: (0, 0)),
            pl.BlockSpec((1, E), lambda b: (0, 0)),
            pl.BlockSpec((TB, 128), lambda b: (b, 0)),
        ],
        out_specs=pl.BlockSpec((1,), lambda b: (0,), memory_space=pltpu.SMEM),
        out_shape=jax.ShapeDtypeStruct((1,), jnp.float32),
    )(col_logits, hs_sorted, w_row_t, b_row2, rc_bcast)

    return total[0] / jnp.float32(N)

# --- scband reference (transcript-rebuilt; emitter-appended) ---
"""Pipeline reference for scband-light-rnndecoder-32813550141544 (READ-ONLY COPY).

The authoritative reference and input builder live on the scoring server;
editing this copy changes nothing except your own understanding.
"""

import jax, jax.numpy as jnp
import numpy as np

TABLE_SIZE = 256
N_EMBD = 1024
VOCAB = TABLE_SIZE * TABLE_SIZE
B, S = 4, 4096


def setup_inputs(seed: int = 0) -> dict:
    key = jax.random.key(seed)
    k1, k2, k3, k4 = jax.random.split(key, 4)
    hidden_states = jax.random.normal(k1, (B, S, N_EMBD), dtype=jnp.float32)
    target_ids = jax.random.randint(k2, (B, S), 0, VOCAB)
    # to_row_logits: Linear(n_embd, table_size), weight [table_size, n_embd]
    W_row = jax.random.normal(k3, (TABLE_SIZE, N_EMBD), dtype=jnp.float32) * 0.02
    b_row = jnp.zeros((TABLE_SIZE,), dtype=jnp.float32)
    col_weight = jax.random.normal(k4, (TABLE_SIZE, N_EMBD, TABLE_SIZE), dtype=jnp.float32) * 0.02
    col_bias = jnp.zeros((TABLE_SIZE, TABLE_SIZE), dtype=jnp.float32)
    return {
        'hidden_states': hidden_states,
        'target_ids': target_ids,
        'W_row': W_row,
        'b_row': b_row,
        'col_weight': col_weight,
        'col_bias': col_bias,
    }


def reference(hidden_states, target_ids, W_row, b_row, col_weight, col_bias):
    # row logits over all tokens
    row_logits = jnp.einsum('bsd,rd->bsr', hidden_states, W_row) + b_row

    # codebook.lookup(ids) -> (row, col) with vocab laid out on a table_size x table_size grid
    ids = target_ids.reshape(-1)
    row_ids = ids // TABLE_SIZE
    col_ids = ids % TABLE_SIZE

    hs_flat = hidden_states.reshape(-1, N_EMBD)
    total_n = hs_flat.shape[0]

    def body(loss_col_accum, inputs):
        r, w_r, b_r = inputs
        logits_r = hs_flat @ w_r + b_r
        lse = jax.scipy.special.logsumexp(logits_r, axis=-1)
        tgt = logits_r[jnp.arange(total_n), col_ids]
        mask = row_ids == r
        loss_col_accum = loss_col_accum + jnp.sum(jnp.where(mask, lse - tgt, jnp.float32(0.0)))
        return loss_col_accum, None

    loss_col_accum, _ = jax.lax.scan(
        body,
        jnp.float32(0.0),
        (jnp.arange(TABLE_SIZE), col_weight, col_bias),
    )
    loss_col = loss_col_accum / total_n

    rl = row_logits.reshape(-1, TABLE_SIZE)
    lse_row = jax.scipy.special.logsumexp(rl, axis=-1)
    tgt_row = rl[jnp.arange(total_n), row_ids]
    loss_row = jnp.mean(lse_row - tgt_row)

    loss = loss_row + loss_col
    return loss

if __name__ == "__main__":
    import jax
    _d = setup_inputs()
    print(jax.jit(kernel)(*tuple(_d.values())))

</pallas_src>

<mosaic_0001>
module attributes {stable_mosaic.version = 14 : i64} {
  func.func @_segment_matmul_kernel(%arg0: i32, %arg1: memref<320xi32, #tpu.memory_space<smem>>, %arg2: memref<320xi32, #tpu.memory_space<smem>>, %arg3: memref<320xi32, #tpu.memory_space<smem>>, %arg4: memref<320xi32, #tpu.memory_space<smem>>, %arg5: memref<256x1024xf32, #tpu.memory_space<vmem>>, %arg6: memref<1x1024x256xf32, #tpu.memory_space<vmem>>, %arg7: memref<1x1x256xf32, #tpu.memory_space<vmem>>, %arg8: memref<256x256xf32, #tpu.memory_space<vmem>>) attributes {dimension_semantics = [#tpu.dimension_semantics<arbitrary>], iteration_bounds = array<i64: 320>, scalar_prefetch = 4 : i64, scratch_operands = 0 : i64, tpu.core_type = #tpu.core_type<tc>, window_params = [{transform_indices = @transform_0, window_bounds = array<i64: 256, 1024>}, {transform_indices = @transform_1, window_bounds = array<i64: 1, 1024, 256>}, {transform_indices = @transform_2, window_bounds = array<i64: 1, 1, 256>}, {transform_indices = @transform_3, window_bounds = array<i64: 256, 256>}]} {
    %get3A = arith.index_cast %arg0 : i32 to index
    %get3A_0 = memref.load %arg3[%get3A] : memref<320xi32, #tpu.memory_space<smem>>
    %get3A_1 = arith.index_cast %arg0 : i32 to index
    %get3A_2 = memref.load %arg4[%get3A_1] : memref<320xi32, #tpu.memory_space<smem>>
    %gt3A = arith.cmpi sgt, %get3A_2, %get3A_0 : i32
    %convert_element_type3A = arith.extui %gt3A : i1 to i32
    %cond3A = arith.constant 0 : i32
    %cond3A_3 = arith.cmpi ne, %convert_element_type3A, %cond3A : i32
    scf.if %cond3A_3 {
      %get3A_4 = arith.constant 0 : index
      %get3A_5 = arith.constant 0 : index
      %get3A_6 = vector.load %arg5[%get3A_4, %get3A_5] : memref<256x1024xf32, #tpu.memory_space<vmem>>, vector<256x1024xf32>
      %convert_element_type3A_7 = arith.truncf %get3A_6 : vector<256x1024xf32> to vector<256x1024xbf16>
      %get3A_8 = arith.constant 0 : index
      %get3A_9 = arith.constant 0 : index
      %get3A_10 = arith.constant 0 : index
      %get3A_11 = vector.load %arg6[%get3A_8, %get3A_9, %get3A_10] : memref<1x1024x256xf32, #tpu.memory_space<vmem>>, vector<1x1024x256xf32>
      %get3A_12 = vector.shape_cast %get3A_11 : vector<1x1024x256xf32> to vector<1024x256xf32>
      %convert_element_type3A_13 = arith.truncf %get3A_12 : vector<1024x256xf32> to vector<1024x256xbf16>
      %dot_general3A = arith.constant dense<0.000000e+00> : vector<256x256xf32>
      %dot_general3A_14 = tpu.matmul %convert_element_type3A_7, %convert_element_type3A_13, %dot_general3A {dimension_numbers = #tpu.dot_dimension_numbers<[1], [0], [0], [1], [0, 0, 1, 1], [], []>, transpose_lhs_hint = false} : vector<256x1024xbf16>, vector<1024x256xbf16>, vector<256x256xf32> -> vector<256x256xf32>
      %get3A_15 = arith.constant 0 : index
      %get3A_16 = arith.constant 0 : index
      %get3A_17 = arith.constant 0 : index
      %get3A_18 = vector.load %arg7[%get3A_15, %get3A_16, %get3A_17] : memref<1x1x256xf32, #tpu.memory_space<vmem>>, vector<1x1x256xf32>
      %get3A_19 = vector.shape_cast %get3A_18 : vector<1x1x256xf32> to vector<1x256xf32>
      %add3A = vector.broadcast %get3A_19 : vector<1x256xf32> to vector<256x256xf32>
      %add3A_20 = arith.addf %dot_general3A_14, %add3A : vector<256x256xf32>
      %iota3A = tpu.iota {dimensions = array<i32: 0>} : vector<256x1xi32>
      %ge3A = vector.broadcast %get3A_0 : i32 to vector<256x1xi32>
      %ge3A_21 = arith.cmpi sge, %iota3A, %ge3A : vector<256x1xi32>
      %lt3A = vector.broadcast %get3A_2 : i32 to vector<256x1xi32>
      %lt3A_22 = arith.cmpi slt, %iota3A, %lt3A : vector<256x1xi32>
      %and3A = arith.andi %ge3A_21, %lt3A_22 : vector<256x1xi1>
      %get3A_23 = arith.constant 0 : index
      %get3A_24 = arith.constant 0 : index
      %get3A_25 = vector.load %arg8[%get3A_23, %get3A_24] : memref<256x256xf32, #tpu.memory_space<vmem>>, vector<256x256xf32>
      %broadcast_in_dim3A = vector.shape_cast %and3A : vector<256x1xi1> to vector<256x1xi1>
      %broadcast_in_dim3A_26 = vector.broadcast %broadcast_in_dim3A : vector<256x1xi1> to vector<256x256xi1>
      %select_n3A = arith.select %broadcast_in_dim3A_26, %add3A_20, %get3A_25 : vector<256x256xi1>, vector<256x256xf32>
      %swap3A = arith.constant 0 : index
      %swap3A_27 = arith.constant 0 : index
      %swap3A_28 = vector.load %arg8[%swap3A, %swap3A_27] : memref<256x256xf32, #tpu.memory_space<vmem>>, vector<256x256xf32>
      tpu.vector_store %arg8[%swap3A, %swap3A_27], %select_n3A {strides = array<i32>} : memref<256x256xf32, #tpu.memory_space<vmem>>, vector<256x256xf32>,
    } else {
    }
    return
  }
  func.func @transform_0(%arg0: i32, %arg1: memref<320xi32, #tpu.memory_space<smem>>, %arg2: memref<320xi32, #tpu.memory_space<smem>>, %arg3: memref<320xi32, #tpu.memory_space<smem>>, %arg4: memref<320xi32, #tpu.memory_space<smem>>) -> (i32, i32) {
    %get3A = arith.index_cast %arg0 : i32 to index
    %get3A_0 = memref.load %arg1[%get3A] : memref<320xi32, #tpu.memory_space<smem>>
    %c0_i32 = arith.constant 0 : i32
    %c0_i32_1 = arith.constant 0 : i32
    return %get3A_0, %c0_i32 : i32, i32
  }
  func.func @transform_1(%arg0: i32, %arg1: memref<320xi32, #tpu.memory_space<smem>>, %arg2: memref<320xi32, #tpu.memory_space<smem>>, %arg3: memref<320xi32, #tpu.memory_space<smem>>, %arg4: memref<320xi32, #tpu.memory_space<smem>>) -> (i32, i32, i32) {
    %get3A = arith.index_cast %arg0 : i32 to index
    %get3A_0 = memref.load %arg2[%get3A] : memref<320xi32, #tpu.memory_space<smem>>
    %c0_i32 = arith.constant 0 : i32
    %c0_i32_1 = arith.constant 0 : i32
    %c0_i32_2 = arith.constant 0 : i32
    return %get3A_0, %c0_i32, %c0_i32_1 : i32, i32, i32
  }
  func.func @transform_2(%arg0: i32, %arg1: memref<320xi32, #tpu.memory_space<smem>>, %arg2: memref<320xi32, #tpu.memory_space<smem>>, %arg3: memref<320xi32, #tpu.memory_space<smem>>, %arg4: memref<320xi32, #tpu.memory_space<smem>>) -> (i32, i32, i32) {
    %get3A = arith.index_cast %arg0 : i32 to index
    %get3A_0 = memref.load %arg2[%get3A] : memref<320xi32, #tpu.memory_space<smem>>
    %c0_i32 = arith.constant 0 : i32
    %c0_i32_1 = arith.constant 0 : i32
    %c0_i32_2 = arith.constant 0 : i32
    return %get3A_0, %c0_i32, %c0_i32_1 : i32, i32, i32
  }
  func.func @transform_3(%arg0: i32, %arg1: memref<320xi32, #tpu.memory_space<smem>>, %arg2: memref<320xi32, #tpu.memory_space<smem>>, %arg3: memref<320xi32, #tpu.memory_space<smem>>, %arg4: memref<320xi32, #tpu.memory_space<smem>>) -> (i32, i32) {
    %get3A = arith.index_cast %arg0 : i32 to index
    %get3A_0 = memref.load %arg1[%get3A] : memref<320xi32, #tpu.memory_space<smem>>
    %c0_i32 = arith.constant 0 : i32
    %c0_i32_1 = arith.constant 0 : i32
    return %get3A_0, %c0_i32 : i32, i32
  }
}

module attributes {stable_mosaic.version = 14 : i64} {
  func.func @_epilogue_kernel(%arg0: i32, %arg1: memref<1024x256xf32, #tpu.memory_space<vmem>>, %arg2: memref<1024x1024xf32, #tpu.memory_space<vmem>>, %arg3: memref<1024x256xf32, #tpu.memory_space<vmem>>, %arg4: memref<1x256xf32, #tpu.memory_space<vmem>>, %arg5: memref<1024x128xi32, #tpu.memory_space<vmem>>, %arg6: memref<1xf32, #tpu.memory_space<smem>>) attributes {dimension_semantics = [#tpu.dimension_semantics<arbitrary>], iteration_bounds = array<i64: 16>, scalar_prefetch = 0 : i64, scratch_operands = 0 : i64, tpu.core_type = #tpu.core_type<tc>, window_params = [{transform_indices = @transform_0, window_bounds = array<i64: 1024, 256>}, {transform_indices = @transform_1, window_bounds = array<i64: 1024, 1024>}, {pipeline_mode = #tpu.pipeline_mode<synchronous>, transform_indices = @transform_2, window_bounds = array<i64: 1024, 256>}, {pipeline_mode = #tpu.pipeline_mode<synchronous>, transform_indices = @transform_3, window_bounds = array<i64: 1, 256>}, {transform_indices = @transform_4, window_bounds = array<i64: 1024, 128>}, {transform_indices = @transform_5, window_bounds = array<i64: 1>}]} {
    %eq3A = arith.constant 0 : i32
    %eq3A_0 = arith.cmpi eq, %arg0, %eq3A : i32
    %convert_element_type3A = arith.extui %eq3A_0 : i1 to i32
    %cond3A = arith.constant 0 : i32
    %cond3A_1 = arith.cmpi ne, %convert_element_type3A, %cond3A : i32
    scf.if %cond3A_1 {
      %swap3A_66 = arith.constant 0.000000e+00 : f32
      %swap3A_67 = arith.constant 0 : index
      %swap3A_68 = memref.load %arg6[%swap3A_67] : memref<1xf32, #tpu.memory_space<smem>>
      memref.store %swap3A_66, %arg6[%swap3A_67] : memref<1xf32, #tpu.memory_space<smem>>
    } else {
    }
    %iota3A = tpu.iota {dimensions = array<i32: 1>} : vector<1024x256xi32>
    %get3A = arith.constant 0 : index
    %get3A_2 = arith.constant 0 : index
    %get3A_3 = vector.load %arg5[%get3A, %get3A_2] : memref<1024x128xi32, #tpu.memory_space<vmem>>, vector<1024x1xi32>
    %get3A_4 = arith.constant 0 : index
    %get3A_5 = arith.constant 0 : index
    %get3A_6 = vector.load %arg1[%get3A_4, %get3A_5] : memref<1024x256xf32, #tpu.memory_space<vmem>>, vector<1024x256xf32>
    %reduce_max3A = arith.constant dense<0xFF800000> : vector<1024xf32>
    %reduce_max3A_7 = vector.multi_reduction <maximumf>, %get3A_6, %reduce_max3A [1] : vector<1024x256xf32> to vector<1024xf32>
    %broadcast_in_dim3A = vector.shape_cast %reduce_max3A_7 : vector<1024xf32> to vector<1024x1xf32>
    %sub3A = vector.broadcast %broadcast_in_dim3A : vector<1024x1xf32> to vector<1024x256xf32>
    %sub3A_8 = arith.subf %get3A_6, %sub3A : vector<1024x256xf32>
    %exp3A = math.exp %sub3A_8 : vector<1024x256xf32>
    %reduce_sum3A = arith.constant dense<0.000000e+00> : vector<1024xf32>
    %reduce_sum3A_9 = vector.multi_reduction <add>, %exp3A, %reduce_sum3A [1] : vector<1024x256xf32> to vector<1024xf32>
    %broadcast_in_dim3A_10 = vector.shape_cast %reduce_sum3A_9 : vector<1024xf32> to vector<1024x1xf32>
    %log3A = math.log %broadcast_in_dim3A_10 : vector<1024x1xf32>
    %add3A = arith.addf %log3A, %broadcast_in_dim3A : vector<1024x1xf32>
    %and3A = arith.constant 65535 : i32
    %and3A_11 = vector.broadcast %and3A : i32 to vector<1024x1xi32>
    %and3A_12 = arith.andi %get3A_3, %and3A_11 : vector<1024x1xi32>
    %eq3A_13 = vector.broadcast %and3A_12 : vector<1024x1xi32> to vector<1024x256xi32>
    %eq3A_14 = arith.cmpi eq, %iota3A, %eq3A_13 : vector<1024x256xi32>
    %jit3A = arith.constant 0.000000e+00 : f32
    %broadcast_in_dim3A_15 = vector.broadcast %jit3A : f32 to vector<1024x256xf32>
    %select_n3A = arith.select %eq3A_14, %get3A_6, %broadcast_in_dim3A_15 : vector<1024x256xi1>, vector<1024x256xf32>
    %reduce_sum3A_16 = arith.constant dense<0.000000e+00> : vector<1024xf32>
    %reduce_sum3A_17 = vector.multi_reduction <add>, %select_n3A, %reduce_sum3A_16 [1] : vector<1024x256xf32> to vector<1024xf32>
    %broadcast_in_dim3A_18 = vector.shape_cast %reduce_sum3A_17 : vector<1024xf32> to vector<1024x1xf32>
    %get3A_19 = arith.constant 0 : index
    %get3A_20 = arith.constant 0 : index
    %get3A_21 = vector.load %arg2[%get3A_19, %get3A_20] : memref<1024x1024xf32, #tpu.memory_space<vmem>>, vector<1024x1024xf32>
    %convert_element_type3A_22 = arith.truncf %get3A_21 : vector<1024x1024xf32> to vector<1024x1024xbf16>
    %get3A_23 = arith.constant 0 : index
    %get3A_24 = arith.constant 0 : index
    %get3A_25 = vector.load %arg3[%get3A_23, %get3A_24] : memref<1024x256xf32, #tpu.memory_space<vmem>>, vector<1024x256xf32>
    %convert_element_type3A_26 = arith.truncf %get3A_25 : vector<1024x256xf32> to vector<1024x256xbf16>
    %dot_general3A = arith.constant dense<0.000000e+00> : vector<1024x256xf32>
    %dot_general3A_27 = tpu.matmul %convert_element_type3A_22, %convert_element_type3A_26, %dot_general3A {dimension_numbers = #tpu.dot_dimension_numbers<[1], [0], [0], [1], [0, 0, 1, 1], [], []>, transpose_lhs_hint = false} : vector<1024x1024xbf16>, vector<1024x256xbf16>, vector<1024x256xf32> -> vector<1024x256xf32>
    %get3A_28 = arith.constant 0 : index
    %get3A_29 = arith.constant 0 : index
    %get3A_30 = vector.load %arg4[%get3A_28, %get3A_29] : memref<1x256xf32, #tpu.memory_space<vmem>>, vector<1x256xf32>
    %add3A_31 = vector.broadcast %get3A_30 : vector<1x256xf32> to vector<1024x256xf32>
    %add3A_32 = arith.addf %dot_general3A_27, %add3A_31 : vector<1024x256xf32>
    %reduce_max3A_33 = arith.constant dense<0xFF800000> : vector<1024xf32>
    %reduce_max3A_34 = vector.multi_reduction <maximumf>, %add3A_32, %reduce_max3A_33 [1] : vector<1024x256xf32> to vector<1024xf32>
    %broadcast_in_dim3A_35 = vector.shape_cast %reduce_max3A_34 : vector<1024xf32> to vector<1024x1xf32>
    %sub3A_36 = vector.broadcast %broadcast_in_dim3A_35 : vector<1024x1xf32> to vector<1024x256xf32>
    %sub3A_37 = arith.subf %add3A_32, %sub3A_36 : vector<1024x256xf32>
    %exp3A_38 = math.exp %sub3A_37 : vector<1024x256xf32>
    %reduce_sum3A_39 = arith.constant dense<0.000000e+00> : vector<1024xf32>
    %reduce_sum3A_40 = vector.multi_reduction <add>, %exp3A_38, %reduce_sum3A_39 [1] : vector<1024x256xf32> to vector<1024xf32>
    %broadcast_in_dim3A_41 = vector.shape_cast %reduce_sum3A_40 : vector<1024xf32> to vector<1024x1xf32>
    %log3A_42 = math.log %broadcast_in_dim3A_41 : vector<1024x1xf32>
    %add3A_43 = arith.addf %log3A_42, %broadcast_in_dim3A_35 : vector<1024x1xf32>
    %shift_right_arithmetic3A = arith.constant 16 : i32
    %shift_right_arithmetic3A_44 = vector.broadcast %shift_right_arithmetic3A : i32 to vector<1024x1xi32>
    %shift_right_arithmetic3A_45 = arith.shrsi %get3A_3, %shift_right_arithmetic3A_44 : vector<1024x1xi32>
    %eq3A_46 = vector.broadcast %shift_right_arithmetic3A_45 : vector<1024x1xi32> to vector<1024x256xi32>
    %eq3A_47 = arith.cmpi eq, %iota3A, %eq3A_46 : vector<1024x256xi32>
    %jit3A_48 = arith.constant 0.000000e+00 : f32
    %broadcast_in_dim3A_49 = vector.broadcast %jit3A_48 : f32 to vector<1024x256xf32>
    %select_n3A_50 = arith.select %eq3A_47, %add3A_32, %broadcast_in_dim3A_49 : vector<1024x256xi1>, vector<1024x256xf32>
    %reduce_sum3A_51 = arith.constant dense<0.000000e+00> : vector<1024xf32>
    %reduce_sum3A_52 = vector.multi_reduction <add>, %select_n3A_50, %reduce_sum3A_51 [1] : vector<1024x256xf32> to vector<1024xf32>
    %broadcast_in_dim3A_53 = vector.shape_cast %reduce_sum3A_52 : vector<1024xf32> to vector<1024x1xf32>
    %get3A_54 = arith.constant 0 : index
    %get3A_55 = memref.load %arg6[%get3A_54] : memref<1xf32, #tpu.memory_space<smem>>
    %sub3A_56 = arith.subf %add3A, %broadcast_in_dim3A_18 : vector<1024x1xf32>
    %sub3A_57 = arith.subf %add3A_43, %broadcast_in_dim3A_53 : vector<1024x1xf32>
    %add3A_58 = arith.addf %sub3A_56, %sub3A_57 : vector<1024x1xf32>
    %reduce_sum3A_59 = vector.shape_cast %add3A_58 : vector<1024x1xf32> to vector<1x1024x1xf32>
    %reduce_sum3A_60 = arith.constant dense<0.000000e+00> : vector<1xf32>
    %reduce_sum3A_61 = vector.multi_reduction <add>, %reduce_sum3A_59, %reduce_sum3A_60 [1, 2] : vector<1x1024x1xf32> to vector<1xf32>
    %reduce_sum3A_62 = vector.shape_cast %reduce_sum3A_61 : vector<1xf32> to vector<1x1x1xf32>
    %reduce_sum3A_63 = vector.extract %reduce_sum3A_62[0, 0, 0] : f32 from vector<1x1x1xf32>
    %add3A_64 = arith.addf %get3A_55, %reduce_sum3A_63 : f32
    %swap3A = arith.constant 0 : index
    %swap3A_65 = memref.load %arg6[%swap3A] : memref<1xf32, #tpu.memory_space<smem>>
    memref.store %add3A_64, %arg6[%swap3A] : memref<1xf32, #tpu.memory_space<smem>>
    return
  }
  func.func @transform_0(%arg0: i32) -> (i32, i32) {
    %c0_i32 = arith.constant 0 : i32
    %c0_i32_0 = arith.constant 0 : i32
    return %arg0, %c0_i32 : i32, i32
  }
  func.func @transform_1(%arg0: i32) -> (i32, i32) {
    %c0_i32 = arith.constant 0 : i32
    %c0_i32_0 = arith.constant 0 : i32
    return %arg0, %c0_i32 : i32, i32
  }
  func.func @transform_2(%arg0: i32) -> (i32, i32) {
    %c0_i32 = arith.constant 0 : i32
    %c0_i32_0 = arith.constant 0 : i32
    %c0_i32_1 = arith.constant 0 : i32
    return %c0_i32, %c0_i32_0 : i32, i32
  }
  func.func @transform_3(%arg0: i32) -> (i32, i32) {
    %c0_i32 = arith.constant 0 : i32
    %c0_i32_0 = arith.constant 0 : i32
    %c0_i32_1 = arith.constant 0 : i32
    return %c0_i32, %c0_i32_0 : i32, i32
  }
  func.func @transform_4(%arg0: i32) -> (i32, i32) {
    %c0_i32 = arith.constant 0 : i32
    %c0_i32_0 = arith.constant 0 : i32
    return %arg0, %c0_i32 : i32, i32
  }
  func.func @transform_5(%arg0: i32) -> i32 {
    %c0_i32 = arith.constant 0 : i32
    %c0_i32_0 = arith.constant 0 : i32
    return %c0_i32 : i32
  }
}

</mosaic_0001>

<sc_bundles>
// kernel: gather_offload_async_start.1
scs
__scs_entry_jumppad:
0x0: {  	(pc) =	sbr.rel $0x88, $3  }
0x1: {  	(tag) =	ssettag $0x0;
	lr =	simm.s32 $0x1  }
0x2: {  	[smem:$0x3F9B] =	sst lr;
	_ =	strace $0xD0000000  }
0x3: {  	_ = 	snop  }
0x4: {  	_ = 	snop  }
0x5: {  	_ = 	snop  }
0x6: {  	_ = 	snop  }
0x7: {  	_ = 	snop  }
__scs_overlays_trampoline_lowered:
0x8: {  	[smem:$0x3FAA] =	sst s0  }
0x9: {  	[smem:$0x3FAB] =	sst s1  }
0xa: {  	[smem:$0x3FAC] =	sst s2  }
0xb: {  	[smem:$0x3FAD] =	sst s3  }
0xc: {  	[smem:$0x3FAE] =	sst s4  }
0xd: {  	[smem:$0x3FAF] =	sst s5  }
0xe: {  	[smem:$0x3FB0] =	sst s6  }
0xf: {  	[smem:$0x3FB1] =	sst s7  }
0x10: {  	[smem:$0x3FB2] =	sst s8  }
0x11: {  	[smem:$0x3FB3] =	sst s9;
	s0 =	simm.s32 @!p0 $0x0  }
0x12: {  	s1 =	sld [smem:$0x3F99];
	s0 =	simm.s32 @p0 $0x1  }
0x13: {  	[smem:$0x3FB4] =	sst s0;
	s0 =	simm.s32 @!p1 $0x0  }
0x14: {  	s2 =	sld [smem:$0x3F98];
	s0 =	simm.s32 @p1 $0x1  }
0x15: {  	[smem:$0x3FB5] =	sst s0;
	s0 =	simm.s32 @!p2 $0x0  }
0x16: {  	s3 =	sld [smem:$0x3FDB];
	s0 =	simm.s32 @p2 $0x1  }
0x17: {  	s4 =	simm.s32 $0x1BF5;
	[smem:$0x3FB7] =	sst s0  }
0x18: {  	s0 =	sld [smem:$0x3F9A];
	_ =	swait.ge [sflag:s4], $0x0  }
0x19: {  	s7 =	sld [smem:$0x3F9B]  }
0x1a: {  	s8 =	sadd.s32 $0xFFFFE003, lr  }
0x1b: {  	s9 =	sadd.s32 $0xFFFFFEF7, lr;
	s5 =	simm.s32 $0xFFFFFFFF;
	p2 =	slt.u32 s8, $0xFFFFF086  }
0x1c: {  	p1 =	slt.u32 s9, $0xF7A;
	s5 =	simm.s32 @!p2 $0x0  }
0x1d: {  	s5 =	simm.s32 @p1 $0x1;
	p0 =	seq.s32 s7, s2  }
0x1e: {  	s7 =	smul.u32 @!p0 $0xF7A, s2;
	p2 =	seq.s32 @!p0 s5, $0x0  }
0x1f: {  	s9 =	smul.u32 $0xF7A, s1;
	s8 =	simm.s32 @!p0 $0x1BF5;
	p2 =	por !p2, p0  }
0x20: {  	[sflag:s8] =	ssyncset.s32 @!p0 $0xFFFFF086;
	s6 =	sadd.s32 @!p0 s3, s7;
	s7 =	simm.s32 @!p0 $0x108  }
0x21: {  	s3 =	sadd.s32 s3, s9;
	s6 =	sadd.s32 @!p0 $0x88, s6;
	s7 =	simm.s32 @p2 $0x1082  }
0x22: {  	[simem:s7], [sflag:s8] =	dma.local @!p0 [hbm:s6], $0xF7A  }
0x23: {  	s9 =	sor.u32 $0xD0000000, s2;
	s6 =	simm.s32 $0x108;
	_ =	swait.ge @!p0 [sflag:s8], $0x0  }
0x24: {  	s3 =	sadd.s32 $0x88, s3;
	s6 =	simm.s32 @!p1 $0x1082;
	[sflag:s4] =	ssyncset.s32 $0xFFFFF086  }
0x25: {  	[simem:s6], [sflag:s4] =	dma.local [hbm:s3], $0xF7A  }
0x26: {  	[smem:$0x3F9B] =	sst s1;
	(tag) =	ssettag s2;
	_ =	strace s9  }
0x27: {  	s1 =	sld [smem:$0x3FAB]  }
0x28: {  	s2 =	sld [smem:$0x3FAC]  }
0x29: {  	s4 =	sld [smem:$0x3FAE]  }
0x2a: {  	p0 =	seq.s32 s5, $0x0;
	s5 =	sld [smem:$0x3FAF]  }
0x2b: {  	s6 =	sld [smem:$0x3FB0]  }
0x2c: {  	s7 =	sld [smem:$0x3FB1]  }
0x2d: {  	s3 =	simm.s32 $0x108;
	s8 =	sld [smem:$0x3FB2]  }
0x2e: {  	s3 =	simm.s32 @!p0 $0x1082;
	s9 =	sld [smem:$0x3FB3]  }
0x2f: {  	lr =	sadd.s32 s0, s3;
	s0 =	sld [smem:$0x3FAA]  }
0x30: {  	s3 =	sld [smem:$0x3FAD]  }
0x31: {  	[smem:$0x3FB6] =	sst s10  }
0x32: {  	s10 =	sld [smem:$0x3FB4];
	_ =	sdelay $0x3  }
0x33: {  	p0 =	seq.s32 s10, $0x1;
	s10 =	sld [smem:$0x3FB6];
	_ =	sdelay $0x3  }
0x34: {  	[smem:$0x3FB6] =	sst s10  }
0x35: {  	s10 =	sld [smem:$0x3FB5];
	_ =	sdelay $0x3  }
0x36: {  	p1 =	seq.s32 s10, $0x1;
	s10 =	sld [smem:$0x3FB6];
	_ =	sdelay $0x3  }
0x37: {  	[smem:$0x3FB6] =	sst s10  }
0x38: {  	s10 =	sld [smem:$0x3FB7]  }
0x39: {  	_ = 	snop;
	(pc) =	sbr.ind lr, $3  }
0x3a: {  	_ = 	snop  }
0x3b: {  	_ = 	snop  }
0x3c: {  	p2 =	seq.s32 s10, $0x1;
	s10 =	sld [smem:$0x3FB6]  }
0x3d: {  	_ =	shalt  }
0x3e: {  	_ =	shalt  }
0x3f: {  	_ =	shalt  }
0x40: {  	_ =	shalt  }
0x41: {  	_ =	shalt  }
0x42: {  	_ =	shalt  }
0x43: {  	_ =	shalt  }
0x44: {  	_ =	shalt  }
0x45: {  	_ =	shalt  }
0x46: {  	_ =	shalt  }
0x47: {  	_ =	shalt  }
0x48: {  	_ =	shalt  }
0x49: {  	_ =	shalt  }
0x4a: {  	_ =	shalt  }
0x4b: {  	_ =	shalt  }
0x4c: {  	_ =	shalt  }
0x4d: {  	_ =	shalt  }
0x4e: {  	_ =	shalt  }
0x4f: {  	_ =	shalt  }
0x50: {  	_ =	shalt  }
0x51: {  	_ =	shalt  }
0x52: {  	_ =	shalt  }
0x53: {  	_ =	shalt  }
0x54: {  	_ =	shalt  }
0x55: {  	_ =	shalt  }
0x56: {  	_ =	shalt  }
0x57: {  	_ =	shalt  }
0x58: {  	_ =	shalt  }
0x59: {  	_ =	shalt  }
0x5a: {  	_ =	shalt  }
0x5b: {  	_ =	shalt  }
0x5c: {  	_ =	shalt  }
0x5d: {  	_ =	shalt  }
0x5e: {  	_ =	shalt  }
0x5f: {  	_ =	shalt  }
0x60: {  	_ =	shalt  }
0x61: {  	_ =	shalt  }
0x62: {  	_ =	shalt  }
0x63: {  	_ =	shalt  }
0x64: {  	_ =	shalt  }
0x65: {  	_ =	shalt  }
0x66: {  	_ =	shalt  }
0x67: {  	_ =	shalt  }
0x68: {  	_ =	shalt  }
0x69: {  	_ =	shalt  }
0x6a: {  	_ =	shalt  }
0x6b: {  	_ =	shalt  }
0x6c: {  	_ =	shalt  }
0x6d: {  	_ =	shalt  }
0x6e: {  	_ =	shalt  }
0x6f: {  	_ =	shalt  }
0x70: {  	_ =	shalt  }
0x71: {  	_ =	shalt  }
0x72: {  	_ =	shalt  }
0x73: {  	_ =	shalt  }
0x74: {  	_ =	shalt  }
0x75: {  	_ =	shalt  }
0x76: {  	_ =	shalt  }
0x77: {  	_ =	shalt  }
0x78: {  	_ =	shalt  }
0x79: {  	_ =	shalt  }
0x7a: {  	_ =	shalt  }
0x7b: {  	_ =	shalt  }
0x7c: {  	_ =	shalt  }
0x7d: {  	_ =	shalt  }
0x7e: {  	_ =	shalt  }
0x7f: {  	_ =	shalt  }
0x80: {  	_ =	shalt  }
0x81: {  	_ =	shalt  }
0x82: {  	_ =	shalt  }
0x83: {  	_ =	shalt  }
0x84: {  	_ =	shalt  }
0x85: {  	_ =	shalt  }
0x86: {  	_ =	shalt  }
0x87: {  	_ =	shalt  }
.Lfunc_end0:
.L_simem_size_0:
called_computation.2_lowered:
.L_overlay_start_0:
0x88: {  	s2 =	sld [smem:$0x3FD9]  }
0x89: {  	s3 =	sld [smem:$0x3FFE];
	_ =	sdelay $0x1  }
0x8a: {  	s1 =	srdreg.scid  }
0x8b: {  	s0 =	sand.u32 $0x1, s1  }
0x8c: {  	s17 =	sshll.u32 s0, $0xA;
	s2 =	sadd.s32 s3, s2  }
0x8d: {  	s2 =	sadd.s32 s2, s17  }
0x8e: {  	[smem:$0x3FC2] =	sst s2  }
0x8f: {  	_ = 	snop  }
0x90: {  	(tm) =	ssettm $0x1  }
0x91: {  	s18 =	sld [smem:$0x3FFB];
	_ =	sdelay $0x3  }
0x92: {  	_ =	strace s18  }
0x93: {  	s2 =	sld [smem:$0x3FFC];
	_ =	sdelay $0x3  }
0x94: {  	_ =	strace s2  }
0x95: {  	s2 =	sld [smem:$0x3FFD];
	_ =	sdelay $0x3  }
0x96: {  	_ =	strace s2  }
0x97: {  	_ =	strace $0x8FFFFFFF  }
0x98: {  	s19 =	sld [smem:$0x3FDB];
	_ =	sdelay $0x1  }
0x99: {  	s20 =	simm.s32 $_scs_section_size  }
0x9a: {  	s4 =	simm.s32 $_size__tile_overlayer_lowered;
	s5 =	simm.s32 $_tile_overlayer_lowered  }
0x9b: {  	s6 =	simm.s32 $0x1BFF;
	s21 =	sshll.u32 s5, $0x1;
	s3 =	sadd.s32 s20, s19  }
0x9c: {  	s22 =	simm.s32 $0x0;
	s4 =	sshll.u32 s4, $0x1;
	s5 =	sadd.s32 s21, s3  }
0x9d: {  	[timem:s22], [sflag:s6] =	dma.local [hbm:s5], s4  }
0x9e: {  	_ =	swait.ge [sflag:s6], s4  }
0x9f: {  	s4 =	ssub.s32 $0x0, s4;
	[sflag:s6] =	ssyncset.done $0x0  }
0xa0: {  	[sflag:s6] =	ssyncadd.s32 s4;
	_ =	sdelay $0x1  }
0xa1: {  	s23 =	simm.s32 $0x1B8B  }
0xa2: {  	_ =	swait.ge [sflag:s23], $0x1  }
0xa3: {  	[sflag:s23] =	ssyncset.done $0x0  }
0xa4: {  	[sflag:s23] =	ssyncadd.s32 $0xFFFFFFFF  }
0xa5: {  	s4 =	sld [smem:$0x0]  }
0xa6: {  	s5 =	sand.u32 $0xFFFFFFFE, s1  }
0xa7: {  	p0 =	sne.s32 s1, s5  }
0xa8: {  	s5 =	sshll.u32 @p0 s5, $0xE  }
0xa9: {  	s5 =	sadd.s32 @p0 $0x11B8D, s5;
	s6 =	sshll.u32 @p0 s4, $0x11  }
0xaa: {  	s5 =	sor.u32 @p0 s6, s5  }
0xab: {  	[sflag:s5] =	ssyncadd.remote.s32 @p0 $0x1;
	_ =	sdelay $0x1  }
0xac: {  	s5 =	simm.s32 @p0 $0x1B8D  }
0xad: {  	_ =	swait.eq @p0 [sflag:s5], $0x1  }
0xae: {  	[sflag:s5] =	ssyncadd.s32 @p0 $0xFFFFFFFF  }
0xaf: {  	s6 =	sshll.u32 @!p0 s1, $0xE  }
0xb0: {  	s6 =	sor.u32 @!p0 $0x4000, s6;
	s5 =	simm.s32 @!p0 $0x1B8D  }
0xb1: {  	s4 =	sshll.u32 @!p0 s4, $0x11;
	s6 =	sadd.s32 @!p0 $0x11B8D, s6;
	_ =	swait.eq @!p0 [sflag:s5], $0x1  }
0xb2: {  	s4 =	sor.u32 @!p0 s4, s6;
	[sflag:s5] =	ssyncadd.s32 @!p0 $0xFFFFFFFF  }
0xb3: {  	s25 =	simm.s32 $0x1B8E;
	s24 =	sld [smem:$0x3FFE];
	[sflag:s4] =	ssyncadd.remote.s32 @!p0 $0x1  }
0xb4: {  	s26 =	simm.s32 $execute0_lowered;
	[smem:$0x3FD2] =	sst s25  }
0xb5: {  	s5 =	sshll.u32 s26, $0x1;
	_ =	strace $0x8000004C;
	[dreg:$0x1] =	wrdreg $0xFFFFFFFF  }
0xb6: {  	s28 =	simm.s32 $_size_execute0_lowered;
	s3 =	sadd.s32 s3, s5;
	[dreg:$0x0] =	wrdreg $0x0  }
0xb7: {  	s5 =	sshll.u32 s28, $0x1;
	[dreg:$0x2] =	wrdreg s3  }
0xb8: {  	[dreg:$0x3] =	wrdreg s5  }
0xb9: {  	[dreg:$0x4] =	wrdreg $0xC0  }
0xba: {  	_ =	task [dreg:s22], $0x5FFFF  }
0xbb: {  	[dreg:$0x1] =	wrdreg $0xFFFFFFFF  }
0xbc: {  	[dreg:$0x0] =	wrdreg $0x60  }
0xbd: {  	[dreg:$0x2] =	wrdreg s24  }
0xbe: {  	[dreg:$0x3] =	wrdreg $0xB  }
0xbf: {  	_ =	task.clear_ibuf [dreg:s22], $0x4FFFF;
	_ =	strace $0x9000004C  }
0xc0: {  	s29 =	simm.s32 $0xB;
	_ =	strace $0x8000004E  }
0xc1: {  	_ =	swait.ge [sflag:s29], $0x1  }
0xc2: {  	[sflag:s29] =	ssyncadd.s32 $0xFFFFFFFF  }
0xc3: {  	_ =	strace $0x9000004E  }
0xc4: {  	_ =	sfence  }
0xc5: {  	s30 =	sld [smem:$0x0];
	_ =	sdelay $0x2  }
0xc6: {  	s31 =	sshll.u32 s1, $0xD;
	s1 =	sshrl.u32 s1, $0x2  }
0xc7: {  	s4 =	sand.u32 $0x4000, s31;
	s1 =	sadd.s32 s1, s30  }
0xc8: {  	s0 =	sor.u32 s4, s0;
	s1 =	sshll.u32 s1, $0x11  }
0xc9: {  	s0 =	sor.u32 s1, s0  }
0xca: {  	s0 =	sadd.s32 $0x8F2B, s0  }
0xcb: {  	[sflag:s0] =	ssyncadd.remote.s32 $0x1  }
0xcc: {  	_ =	sfence.sel $0xFFFF  }
0xcd: {  	[dreg:$0x0] =	wrdreg $0xFFFFFFFF;
	(pc) =	sbr.abs _section_cstart, $3  }
0xce: {  	[dreg:$0x1] =	wrdreg $0xFFFFFFFF  }
0xcf: {  	_ =	task.clear_ibuf [dreg:s22], $0x2FFFF;
	_ =	strace $0x9FFFFFFF  }
0xd0: {  	(tm) =	ssettm $0x7FFFFFFF  }
0xd1: {  	_ =	shalt  }
tec
execute0_lowered:
.L_overlay_start_1:
0x0: {  	(tag) =	ssettag $0x1  }
0x1: {  	s0 =	srdreg.scid;
	s5 =	rddreg [dreg:$0x0]  }
0x2: {  	s1 =	stileid.u32;
	s6 =	simm.s32 $0x1;
	s9 =	simm.s32 $0x1  }
0x3: {  	s10 =	simm.s32 $0x3;
	s13 =	simm.s32 $0x0;
	s2 =	sshll.u32 s0, $0x8  }
0x4: {  	s12 =	simm.s32 $0x0;
	s3 =	sshll.u32 s1, $0x9;
	s2 =	sand.u32 $0x100, s2  }
0x5: {  	s0 =	rddreg [dreg:$0x1];
	_ =	strace $0x8000004D;
	s2 =	sor.u32 s3, s2  }
0x6: {  	s4 =	sadd.s32 $0x2000, s5;
	[sflag:s6] =	ssyncpa.u1 $0x0;
	s8 =	ssub.s32 $0x4000, s2  }
.Ltmp0:
0x7: {  	s3 =	sadd.s32 $0x1000, s5;
	s7 =	sand.u32 $0x1F00, s8;
	(pc) =	sbr.rel .LBB2_1-.Ltmp0, $4  }
0x8: {  	s5 =	sadd.s32 $0x3A00, s5;
	s11 =	smov.u32 s2;
	p0 =	sne.s32 s7, $0x0  }
0x9: {  	s8 =	sshrl.u32 s8, $0xD;
	s7 =	simm.s32 $0x2;
	s9 =	simm.s32 @!p0 $0x0  }
0xa: {  	[sflag:s7] =	ssyncpa.u1 $0x0;
	p0 =	por $0x0, $0x0;
	s8 =	sadd.s32 s9, s8  }
0xb: {  	vm0 =	vmmov $0xffff;
	[sflag:s10] =	ssyncpa.u1 $0x0;
	s10 =	simm.s32 $0x0;
	s9 =	sadd.s32 $0x1, s8  }
.LBB2_4:
0xc: {  	v2 =	vnsel vm1, $0x0, v2  }
0xd: {  	vm1 =	vgt.s32 v0, $0x0;
	v2 =	vmin.u32 v2, $0x3FFF  }
0xe: {  	v0 =	vnsel vm1, $0x0, v0  }
0xf: {  	v0 =	vmin.u32 v0, $0x3FFF  }
0x10: {  	[tilespmem:s15], [sflag:$0x1] =	stream.indirect_vreg.gather [hbm4b:s3+s10], $0x1, v1, vm0, $0x4038;
	[tilespmem:$0x400] =	vst v63  }
0x11: {  	(ifvalue) =	ssetifvalue $0x7FFFFFFF  }
0x12: {  	[tilespmem:s16], [sflag:$0x1] =	stream.indirect_vreg.gather [hbm4b:s3+s10], $0x1, v2, vm0, $0x4038;
	[tilespmem:$0x400] =	vst v63  }
0x13: {  	s29 =	sadd.s32 $0x10, s16;
	(ifvalue) =	ssetifvalue $0x7FFFFFFF  }
0x14: {  	[tilespmem:s29], [sflag:$0x1] =	stream.indirect_vreg.gather [hbm4b:s3+s10], $0x1, v0, vm0, $0x4038;
	[tilespmem:$0x400] =	vst v63  }
0x15: {  	_ =	swait.ge [sflag:s6], $0x100  }
0x16: {  	s30 =	sshrl.u32 s13, $0x3;
	[sflag:s6] =	ssyncset.done $0x0  }
0x17: {  	s31 =	sand.u32 $0x7, s13;
	s15 =	sadd.s32 s5, s30;
	[sflag:s6] =	ssyncadd.s32 $0xFFFFFF00  }
0x18: {  	[hbm4b:s15+s31] =	stream.linear.scatter [tilespmem:s14], [sflag:$0x3], $0x100, $0x38;
	[tilespmem:$0x400] =	vst v63  }
.LBB2_5:
0x19: {  	s15 =	sadd.s32 $0x2000, s11  }
0x1a: {  	p2 =	sgt.s32 s15, $0x3FFF  }
0x1b: {  	s15 =	smov.u32 @p2 s2;
	p2 =	sne.s32 s12, s9  }
.Ltmp1:
0x1c: {  	p1 =	slt.u32 s12, $0x2;
	(pc) =	sbr.rel @!p2 .LBB2_6-.Ltmp1, $4  }
0x1d: {  	s14 =	simm.s32 @!p1 $0x3  }
0x1e: {  	s16 =	sadd.s32 $0x1, s12;
	_ =	swait.ge @!p1 [sflag:s14], $0x100  }
0x1f: {  	s13 =	smov.u32 s11;
	p0 =	por !p0, !p0;
	[sflag:s14] =	ssyncset.done @!p1 $0x0  }
0x20: {  	s12 =	smov.u32 s16;
	s11 =	smov.u32 s15;
	[sflag:s14] =	ssyncadd.s32 @!p1 $0xFFFFFF00  }
.LBB2_1:
0x21: {  	p1 =	sge.u32 s12, s8  }
0x22: {  	s14 =	sxor.u32 @!p1 $0xFFFFFFFF, s12  }
0x23: {  	s31 =	sadd.s32 $0xFFFFFFFF, s12;
	s15 =	sshrl.u32 @!p1 s11, $0x3;
	s14 =	sshll.u32 @!p1 s14, $0x8  }
0x24: {  	s16 =	sand.u32 @!p1 $0x7, s11;
	s15 =	sadd.s32 @!p1 s4, s15;
	s14 =	sand.u32 @!p1 $0x100, s14  }
0x25: {  	[tilespmem:s14], [sflag:$0x2] =	stream.linear.gather @!p1 [hbm4b:s15+s16], $0x100, $0x38;
	[tilespmem:$0x400] =	vst v63  }
0x26: {  	p1 =	sge.u32 s31, s8  }
.Ltmp2:
0x27: {  	_ = 	snop;
	(pc) =	sbr.rel @p1 .LBB2_5-.Ltmp2, $1  }
0x28: {  	_ =	sdelay $0x3  }
0x29: {  	s14 =	simm.s32 $0x1  }
0x2a: {  	_ =	swait.ge [sflag:s7], $0x100;
	s14 =	simm.s32 @!p0 $0x0  }
0x2b: {  	[sflag:s7] =	ssyncset.done $0x0;
	s14 =	sshll.u32 s14, $0x8  }
0x2c: {  	[sflag:s7] =	ssyncadd.s32 $0xFFFFFF00;
	(ifvalue) =	ssetifvalue $0x7FFFFFFF;
	v0 =	vld.msk [tilespmem:s14+$0x0 ss:$0x1], $0xffff;
	_ =	sdelay $0x4  }
0x2d: {  	s15 =	sadd.s32 $0x10, s14;
	vm1 =	vgt.s32 v0, $0x0  }
0x2e: {  	v2 =	vld.msk [tilespmem:s15+$0x0 ss:$0x1], $0xffff;
	v1 =	vnsel vm1, $0x0, v0  }
0x2f: {  	v1 =	vmin.u32 v1, $0x3FFF;
	_ =	sdelay $0x1  }
0x30: {  	s16 =	sshll.u32 s12, $0x8;
	s18 =	simm.s32 $0x20  }
0x31: {  	s16 =	sand.u32 $0x100, s16;
	s17 =	sadd.s32 $0x10, s15;
	s15 =	sor.u32 $0x200, s14  }
0x32: {  	s14 =	sor.u32 $0x200, s16;
	s16 =	sadd.s32 $0x10, s15;
	v0 =	vld.msk [tilespmem:s17+$0x0 ss:$0x1], $0xffff;
	vm1 =	vgt.s32 v2, $0x0;
	(ifvalue) =	ssetifvalue $0x7FFFFFFF  }
.LBB2_3:
0x33: {  	[tilespmem:s15], [sflag:$0x1] =	stream.indirect_vreg.gather [hbm4b:s3+s10], $0x1, v1, vm0, $0x4038;
	[tilespmem:$0x400] =	vst v63  }
0x34: {  	s18 =	sadd.s32 $0x10, s18  }
0x35: {  	v2 =	vnsel vm1, $0x0, v2;
	p1 =	slt.u32 s18, $0xF0  }
.Ltmp3:
0x36: {  	s15 =	smov.u32 s16;
	v1 =	vmin.u32 v2, $0x3FFF;
	(pc) =	sbr.rel @p1 .LBB2_3-.Ltmp3, $3  }
0x37: {  	_ =	sdelay $0x1  }
0x38: {  	s17 =	sadd.s32 $0x10, s17  }
0x39: {  	vm1 =	vgt.s32 v0, $0x0;
	s16 =	sadd.s32 $0x10, s16;
	v2 =	vmov v0;
	(ifvalue) =	ssetifvalue $0x7FFFFFFF;
	v0 =	vld.msk [tilespmem:s17+$0x0 ss:$0x1], $0xffff  }
.Ltmp4:
0x3a: {  	_ = 	snop;
	(pc) =	sbr.rel .LBB2_4-.Ltmp4, $1  }
0x3b: {  	_ =	sdelay $0x3  }
.LBB2_6:
0x3c: {  	_ =	sfence.sel $0x180000  }
0x3d: {  	s2 =	simm.s32 $0x2;
	[bflag:$0x0] =	sbarrier.arrive $0xFFFF  }
0x3e: {  	s30 =	simm.s32 $0x3;
	[sflag:s2] =	ssyncpa.u1 $0x1  }
0x3f: {  	s31 =	simm.s32 $0x1;
	[sflag:s30] =	ssyncpa.u1 $0x1  }
0x40: {  	[sflag:s31] =	ssyncpa.u1 $0x1  }
0x41: {  	p0 =	sne.s32 s1, $0x0;
	_ =	strace $0x9000004D  }
0x42: {  	s0 =	sadd.s32 @!p0 $0x100000, s0;
	[bflag:$0x2] =	sbarrier.arrive $0xFFFF  }
0x43: {  	[sflag:s0] =	ssyncadd.tile.s32 @!p0 $0x1;
	_ =	shalt  }
.Lfunc_end2:
_tile_overlayer_lowered:
.L_overlay_start_2:
0x44: {  	(tag) =	ssettag $0x2  }
0x45: {  	s0 =	rddreg [dreg:$0x0];
	s2 =	stileid.u32  }
0x46: {  	s1 =	rddreg [dreg:$0x1];
	p0 =	sne.s32 s2, $0x0  }
0x47: {  	s3 =	rddreg [dreg:$0x2];
	[bflag:$0x3] =	sbarrier.arrive $0xFFFF;
	s2 =	simm.s32 @!p0 $0x1C01  }
0x48: {  	[timem:s3], [sflag:s2] =	dma.local @!p0 [hbm:s0], s1  }
0x49: {  	s0 =	simm.s32 @!p0 $0x1  }
0x4a: {  	_ =	swait.ge @!p0 [sflag:s0], s1  }
0x4b: {  	s1 =	ssub.s32 @!p0 $0x0, s1;
	[sflag:s0] =	ssyncset.done @!p0 $0x0  }
0x4c: {  	[sflag:s0] =	ssyncadd.s32 @!p0 s1  }
0x4d: {  	[bflag:$0x3] =	sbarrier.arrive $0xFFFF  }
0x4e: {  	_ =	shalt  }

// kernel: gather_offload_async_start.2
scs
__scs_entry_jumppad:
0x0: {  	(pc) =	sbr.rel $0x88, $3  }
0x1: {  	(tag) =	ssettag $0x0;
	lr =	simm.s32 $0x1  }
0x2: {  	[smem:$0x3F9B] =	sst lr;
	_ =	strace $0xD0000000  }
0x3: {  	_ = 	snop  }
0x4: {  	_ = 	snop  }
0x5: {  	_ = 	snop  }
0x6: {  	_ = 	snop  }
0x7: {  	_ = 	snop  }
__scs_overlays_trampoline_lowered:
0x8: {  	[smem:$0x3FAA] =	sst s0  }
0x9: {  	[smem:$0x3FAB] =	sst s1  }
0xa: {  	[smem:$0x3FAC] =	sst s2  }
0xb: {  	[smem:$0x3FAD] =	sst s3  }
0xc: {  	[smem:$0x3FAE] =	sst s4  }
0xd: {  	[smem:$0x3FAF] =	sst s5  }
0xe: {  	[smem:$0x3FB0] =	sst s6  }
0xf: {  	[smem:$0x3FB1] =	sst s7  }
0x10: {  	[smem:$0x3FB2] =	sst s8  }
0x11: {  	[smem:$0x3FB3] =	sst s9;
	s0 =	simm.s32 @!p0 $0x0  }
0x12: {  	s1 =	sld [smem:$0x3F99];
	s0 =	simm.s32 @p0 $0x1  }
0x13: {  	[smem:$0x3FB4] =	sst s0;
	s0 =	simm.s32 @!p1 $0x0  }
0x14: {  	s2 =	sld [smem:$0x3F98];
	s0 =	simm.s32 @p1 $0x1  }
0x15: {  	[smem:$0x3FB5] =	sst s0;
	s0 =	simm.s32 @!p2 $0x0  }
0x16: {  	s3 =	sld [smem:$0x3FDB];
	s0 =	simm.s32 @p2 $0x1  }
0x17: {  	s4 =	simm.s32 $0x1BF5;
	[smem:$0x3FB7] =	sst s0  }
0x18: {  	s0 =	sld [smem:$0x3F9A];
	_ =	swait.ge [sflag:s4], $0x0  }
0x19: {  	s7 =	sld [smem:$0x3F9B]  }
0x1a: {  	s8 =	sadd.s32 $0xFFFFE003, lr  }
0x1b: {  	s9 =	sadd.s32 $0xFFFFFEF7, lr;
	s5 =	simm.s32 $0xFFFFFFFF;
	p2 =	slt.u32 s8, $0xFFFFF086  }
0x1c: {  	p1 =	slt.u32 s9, $0xF7A;
	s5 =	simm.s32 @!p2 $0x0  }
0x1d: {  	s5 =	simm.s32 @p1 $0x1;
	p0 =	seq.s32 s7, s2  }
0x1e: {  	s7 =	smul.u32 @!p0 $0xF7A, s2;
	p2 =	seq.s32 @!p0 s5, $0x0  }
0x1f: {  	s9 =	smul.u32 $0xF7A, s1;
	s8 =	simm.s32 @!p0 $0x1BF5;
	p2 =	por !p2, p0  }
0x20: {  	[sflag:s8] =	ssyncset.s32 @!p0 $0xFFFFF086;
	s6 =	sadd.s32 @!p0 s3, s7;
	s7 =	simm.s32 @!p0 $0x108  }
0x21: {  	s3 =	sadd.s32 s3, s9;
	s6 =	sadd.s32 @!p0 $0x88, s6;
	s7 =	simm.s32 @p2 $0x1082  }
0x22: {  	[simem:s7], [sflag:s8] =	dma.local @!p0 [hbm:s6], $0xF7A  }
0x23: {  	s9 =	sor.u32 $0xD0000000, s2;
	s6 =	simm.s32 $0x108;
	_ =	swait.ge @!p0 [sflag:s8], $0x0  }
0x24: {  	s3 =	sadd.s32 $0x88, s3;
	s6 =	simm.s32 @!p1 $0x1082;
	[sflag:s4] =	ssyncset.s32 $0xFFFFF086  }
0x25: {  	[simem:s6], [sflag:s4] =	dma.local [hbm:s3], $0xF7A  }
0x26: {  	[smem:$0x3F9B] =	sst s1;
	(tag) =	ssettag s2;
	_ =	strace s9  }
0x27: {  	s1 =	sld [smem:$0x3FAB]  }
0x28: {  	s2 =	sld [smem:$0x3FAC]  }
0x29: {  	s4 =	sld [smem:$0x3FAE]  }
0x2a: {  	p0 =	seq.s32 s5, $0x0;
	s5 =	sld [smem:$0x3FAF]  }
0x2b: {  	s6 =	sld [smem:$0x3FB0]  }
0x2c: {  	s7 =	sld [smem:$0x3FB1]  }
0x2d: {  	s3 =	simm.s32 $0x108;
	s8 =	sld [smem:$0x3FB2]  }
0x2e: {  	s3 =	simm.s32 @!p0 $0x1082;
	s9 =	sld [smem:$0x3FB3]  }
0x2f: {  	lr =	sadd.s32 s0, s3;
	s0 =	sld [smem:$0x3FAA]  }
0x30: {  	s3 =	sld [smem:$0x3FAD]  }
0x31: {  	[smem:$0x3FB6] =	sst s10  }
0x32: {  	s10 =	sld [smem:$0x3FB4];
	_ =	sdelay $0x3  }
0x33: {  	p0 =	seq.s32 s10, $0x1;
	s10 =	sld [smem:$0x3FB6];
	_ =	sdelay $0x3  }
0x34: {  	[smem:$0x3FB6] =	sst s10  }
0x35: {  	s10 =	sld [smem:$0x3FB5];
	_ =	sdelay $0x3  }
0x36: {  	p1 =	seq.s32 s10, $0x1;
	s10 =	sld [smem:$0x3FB6];
	_ =	sdelay $0x3  }
0x37: {  	[smem:$0x3FB6] =	sst s10  }
0x38: {  	s10 =	sld [smem:$0x3FB7]  }
0x39: {  	_ = 	snop;
	(pc) =	sbr.ind lr, $3  }
0x3a: {  	_ = 	snop  }
0x3b: {  	_ = 	snop  }
0x3c: {  	p2 =	seq.s32 s10, $0x1;
	s10 =	sld [smem:$0x3FB6]  }
0x3d: {  	_ =	shalt  }
0x3e: {  	_ =	shalt  }
0x3f: {  	_ =	shalt  }
0x40: {  	_ =	shalt  }
0x41: {  	_ =	shalt  }
0x42: {  	_ =	shalt  }
0x43: {  	_ =	shalt  }
0x44: {  	_ =	shalt  }
0x45: {  	_ =	shalt  }
0x46: {  	_ =	shalt  }
0x47: {  	_ =	shalt  }
0x48: {  	_ =	shalt  }
0x49: {  	_ =	shalt  }
0x4a: {  	_ =	shalt  }
0x4b: {  	_ =	shalt  }
0x4c: {  	_ =	shalt  }
0x4d: {  	_ =	shalt  }
0x4e: {  	_ =	shalt  }
0x4f: {  	_ =	shalt  }
0x50: {  	_ =	shalt  }
0x51: {  	_ =	shalt  }
0x52: {  	_ =	shalt  }
0x53: {  	_ =	shalt  }
0x54: {  	_ =	shalt  }
0x55: {  	_ =	shalt  }
0x56: {  	_ =	shalt  }
0x57: {  	_ =	shalt  }
0x58: {  	_ =	shalt  }
0x59: {  	_ =	shalt  }
0x5a: {  	_ =	shalt  }
0x5b: {  	_ =	shalt  }
0x5c: {  	_ =	shalt  }
0x5d: {  	_ =	shalt  }
0x5e: {  	_ =	shalt  }
0x5f: {  	_ =	shalt  }
0x60: {  	_ =	shalt  }
0x61: {  	_ =	shalt  }
0x62: {  	_ =	shalt  }
0x63: {  	_ =	shalt  }
0x64: {  	_ =	shalt  }
0x65: {  	_ =	shalt  }
0x66: {  	_ =	shalt  }
0x67: {  	_ =	shalt  }
0x68: {  	_ =	shalt  }
0x69: {  	_ =	shalt  }
0x6a: {  	_ =	shalt  }
0x6b: {  	_ =	shalt  }
0x6c: {  	_ =	shalt  }
0x6d: {  	_ =	shalt  }
0x6e: {  	_ =	shalt  }
0x6f: {  	_ =	shalt  }
0x70: {  	_ =	shalt  }
0x71: {  	_ =	shalt  }
0x72: {  	_ =	shalt  }
0x73: {  	_ =	shalt  }
0x74: {  	_ =	shalt  }
0x75: {  	_ =	shalt  }
0x76: {  	_ =	shalt  }
0x77: {  	_ =	shalt  }
0x78: {  	_ =	shalt  }
0x79: {  	_ =	shalt  }
0x7a: {  	_ =	shalt  }
0x7b: {  	_ =	shalt  }
0x7c: {  	_ =	shalt  }
0x7d: {  	_ =	shalt  }
0x7e: {  	_ =	shalt  }
0x7f: {  	_ =	shalt  }
0x80: {  	_ =	shalt  }
0x81: {  	_ =	shalt  }
0x82: {  	_ =	shalt  }
0x83: {  	_ =	shalt  }
0x84: {  	_ =	shalt  }
0x85: {  	_ =	shalt  }
0x86: {  	_ =	shalt  }
0x87: {  	_ =	shalt  }
.Lfunc_end0:
.L_simem_size_0:
called_computation.3_lowered:
.L_overlay_start_0:
0x88: {  	s2 =	sld [smem:$0x3FD9]  }
0x89: {  	s3 =	sld [smem:$0x3FFE];
	_ =	sdelay $0x1  }
0x8a: {  	s1 =	srdreg.scid  }
0x8b: {  	s0 =	sand.u32 $0x1, s1  }
0x8c: {  	s17 =	sshll.u32 s0, $0xA;
	s2 =	sadd.s32 s3, s2  }
0x8d: {  	s2 =	sadd.s32 s2, s17  }
0x8e: {  	[smem:$0x3FC2] =	sst s2  }
0x8f: {  	_ = 	snop  }
0x90: {  	(tm) =	ssettm $0x1  }
0x91: {  	s18 =	sld [smem:$0x3FFB];
	_ =	sdelay $0x3  }
0x92: {  	_ =	strace s18  }
0x93: {  	s2 =	sld [smem:$0x3FFC];
	_ =	sdelay $0x3  }
0x94: {  	_ =	strace s2  }
0x95: {  	s2 =	sld [smem:$0x3FFD];
	_ =	sdelay $0x3  }
0x96: {  	_ =	strace s2  }
0x97: {  	_ =	strace $0x8FFFFFFF  }
0x98: {  	s19 =	sld [smem:$0x3FDB];
	_ =	sdelay $0x1  }
0x99: {  	s20 =	simm.s32 $_scs_section_size  }
0x9a: {  	s4 =	simm.s32 $_size__tile_overlayer_lowered;
	s5 =	simm.s32 $_tile_overlayer_lowered  }
0x9b: {  	s6 =	simm.s32 $0x1BFF;
	s21 =	sshll.u32 s5, $0x1;
	s3 =	sadd.s32 s20, s19  }
0x9c: {  	s22 =	simm.s32 $0x0;
	s4 =	sshll.u32 s4, $0x1;
	s5 =	sadd.s32 s21, s3  }
0x9d: {  	[timem:s22], [sflag:s6] =	dma.local [hbm:s5], s4  }
0x9e: {  	_ =	swait.ge [sflag:s6], s4  }
0x9f: {  	s4 =	ssub.s32 $0x0, s4;
	[sflag:s6] =	ssyncset.done $0x0  }
0xa0: {  	[sflag:s6] =	ssyncadd.s32 s4;
	_ =	sdelay $0x1  }
0xa1: {  	s23 =	simm.s32 $0x1B8B  }
0xa2: {  	_ =	swait.ge [sflag:s23], $0x1  }
0xa3: {  	[sflag:s23] =	ssyncset.done $0x0  }
0xa4: {  	[sflag:s23] =	ssyncadd.s32 $0xFFFFFFFF  }
0xa5: {  	s4 =	sld [smem:$0x0]  }
0xa6: {  	s5 =	sand.u32 $0xFFFFFFFE, s1  }
0xa7: {  	p0 =	sne.s32 s1, s5  }
0xa8: {  	s5 =	sshll.u32 @p0 s5, $0xE  }
0xa9: {  	s5 =	sadd.s32 @p0 $0x11B8D, s5;
	s6 =	sshll.u32 @p0 s4, $0x11  }
0xaa: {  	s5 =	sor.u32 @p0 s6, s5  }
0xab: {  	[sflag:s5] =	ssyncadd.remote.s32 @p0 $0x1;
	_ =	sdelay $0x1  }
0xac: {  	s5 =	simm.s32 @p0 $0x1B8D  }
0xad: {  	_ =	swait.eq @p0 [sflag:s5], $0x1  }
0xae: {  	[sflag:s5] =	ssyncadd.s32 @p0 $0xFFFFFFFF  }
0xaf: {  	s6 =	sshll.u32 @!p0 s1, $0xE  }
0xb0: {  	s6 =	sor.u32 @!p0 $0x4000, s6;
	s5 =	simm.s32 @!p0 $0x1B8D  }
0xb1: {  	s4 =	sshll.u32 @!p0 s4, $0x11;
	s6 =	sadd.s32 @!p0 $0x11B8D, s6;
	_ =	swait.eq @!p0 [sflag:s5], $0x1  }
0xb2: {  	s4 =	sor.u32 @!p0 s4, s6;
	[sflag:s5] =	ssyncadd.s32 @!p0 $0xFFFFFFFF  }
0xb3: {  	s25 =	simm.s32 $0x1B8E;
	s24 =	sld [smem:$0x3FFE];
	[sflag:s4] =	ssyncadd.remote.s32 @!p0 $0x1  }
0xb4: {  	s26 =	simm.s32 $execute0_lowered;
	[smem:$0x3FD2] =	sst s25  }
0xb5: {  	s5 =	sshll.u32 s26, $0x1;
	_ =	strace $0x80000049;
	[dreg:$0x1] =	wrdreg $0xFFFFFFFF  }
0xb6: {  	s28 =	simm.s32 $_size_execute0_lowered;
	s3 =	sadd.s32 s3, s5;
	[dreg:$0x0] =	wrdreg $0x0  }
0xb7: {  	s5 =	sshll.u32 s28, $0x1;
	[dreg:$0x2] =	wrdreg s3  }
0xb8: {  	[dreg:$0x3] =	wrdreg s5  }
0xb9: {  	[dreg:$0x4] =	wrdreg $0xC0  }
0xba: {  	_ =	task [dreg:s22], $0x5FFFF  }
0xbb: {  	[dreg:$0x1] =	wrdreg $0xFFFFFFFF  }
0xbc: {  	[dreg:$0x0] =	wrdreg $0x60  }
0xbd: {  	[dreg:$0x2] =	wrdreg s24  }
0xbe: {  	[dreg:$0x3] =	wrdreg $0xC  }
0xbf: {  	_ =	task.clear_ibuf [dreg:s22], $0x4FFFF;
	_ =	strace $0x90000049  }
0xc0: {  	s29 =	simm.s32 $0xC;
	_ =	strace $0x8000004B  }
0xc1: {  	_ =	swait.ge [sflag:s29], $0x1  }
0xc2: {  	[sflag:s29] =	ssyncadd.s32 $0xFFFFFFFF  }
0xc3: {  	_ =	strace $0x9000004B  }
0xc4: {  	_ =	sfence  }
0xc5: {  	s30 =	sld [smem:$0x0];
	_ =	sdelay $0x2  }
0xc6: {  	s31 =	sshll.u32 s1, $0xD;
	s1 =	sshrl.u32 s1, $0x2  }
0xc7: {  	s4 =	sand.u32 $0x4000, s31;
	s1 =	sadd.s32 s1, s30  }
0xc8: {  	s0 =	sor.u32 s4, s0;
	s1 =	sshll.u32 s1, $0x11  }
0xc9: {  	s0 =	sor.u32 s1, s0  }
0xca: {  	s0 =	sadd.s32 $0x8F2B, s0  }
0xcb: {  	[sflag:s0] =	ssyncadd.remote.s32 $0x1  }
0xcc: {  	_ =	sfence.sel $0xFFFF  }
0xcd: {  	[dreg:$0x0] =	wrdreg $0xFFFFFFFF;
	(pc) =	sbr.abs _section_cstart, $3  }
0xce: {  	[dreg:$0x1] =	wrdreg $0xFFFFFFFF  }
0xcf: {  	_ =	task.clear_ibuf [dreg:s22], $0x2FFFF;
	_ =	strace $0x9FFFFFFF  }
0xd0: {  	(tm) =	ssettm $0x7FFFFFFF  }
0xd1: {  	_ =	shalt  }
tec
execute0_lowered:
.L_overlay_start_1:
0x0: {  	(tag) =	ssettag $0x1  }
0x1: {  	s0 =	srdreg.scid;
	s5 =	rddreg [dreg:$0x0]  }
0x2: {  	s1 =	stileid.u32;
	s6 =	simm.s32 $0x1;
	s9 =	simm.s32 $0x1  }
0x3: {  	s10 =	simm.s32 $0x3;
	s13 =	simm.s32 $0x0;
	s2 =	sshll.u32 s0, $0x8  }
0x4: {  	s12 =	simm.s32 $0x0;
	s3 =	sshll.u32 s1, $0x9;
	s2 =	sand.u32 $0x100, s2  }
0x5: {  	s0 =	rddreg [dreg:$0x1];
	_ =	strace $0x8000004A;
	s2 =	sor.u32 s3, s2  }
0x6: {  	s4 =	sadd.s32 $0x2000, s5;
	[sflag:s6] =	ssyncpa.u1 $0x0;
	s8 =	ssub.s32 $0x4000, s2  }
.Ltmp0:
0x7: {  	s3 =	sadd.s32 $0x800, s5;
	s7 =	sand.u32 $0x1F00, s8;
	(pc) =	sbr.rel .LBB2_1-.Ltmp0, $4  }
0x8: {  	s5 =	sadd.s32 $0x3200, s5;
	s11 =	smov.u32 s2;
	p0 =	sne.s32 s7, $0x0  }
0x9: {  	s8 =	sshrl.u32 s8, $0xD;
	s7 =	simm.s32 $0x2;
	s9 =	simm.s32 @!p0 $0x0  }
0xa: {  	[sflag:s7] =	ssyncpa.u1 $0x0;
	p0 =	por $0x0, $0x0;
	s8 =	sadd.s32 s9, s8  }
0xb: {  	vm0 =	vmmov $0xffff;
	[sflag:s10] =	ssyncpa.u1 $0x0;
	s10 =	simm.s32 $0x0;
	s9 =	sadd.s32 $0x1, s8  }
.LBB2_4:
0xc: {  	v2 =	vnsel vm1, $0x0, v2  }
0xd: {  	vm1 =	vgt.s32 v0, $0x0;
	v2 =	vmin.u32 v2, $0x3FFF  }
0xe: {  	v0 =	vnsel vm1, $0x0, v0  }
0xf: {  	v0 =	vmin.u32 v0, $0x3FFF  }
0x10: {  	[tilespmem:s15], [sflag:$0x1] =	stream.indirect_vreg.gather [hbm4b:s3+s10], $0x1, v1, vm0, $0x4038;
	[tilespmem:$0x400] =	vst v63  }
0x11: {  	(ifvalue) =	ssetifvalue $0x7FFFFFFF  }
0x12: {  	[tilespmem:s16], [sflag:$0x1] =	stream.indirect_vreg.gather [hbm4b:s3+s10], $0x1, v2, vm0, $0x4038;
	[tilespmem:$0x400] =	vst v63  }
0x13: {  	s29 =	sadd.s32 $0x10, s16;
	(ifvalue) =	ssetifvalue $0x7FFFFFFF  }
0x14: {  	[tilespmem:s29], [sflag:$0x1] =	stream.indirect_vreg.gather [hbm4b:s3+s10], $0x1, v0, vm0, $0x4038;
	[tilespmem:$0x400] =	vst v63  }
0x15: {  	_ =	swait.ge [sflag:s6], $0x100  }
0x16: {  	s30 =	sshrl.u32 s13, $0x3;
	[sflag:s6] =	ssyncset.done $0x0  }
0x17: {  	s31 =	sand.u32 $0x7, s13;
	s15 =	sadd.s32 s5, s30;
	[sflag:s6] =	ssyncadd.s32 $0xFFFFFF00  }
0x18: {  	[hbm4b:s15+s31] =	stream.linear.scatter [tilespmem:s14], [sflag:$0x3], $0x100, $0x38;
	[tilespmem:$0x400] =	vst v63  }
.LBB2_5:
0x19: {  	s15 =	sadd.s32 $0x2000, s11  }
0x1a: {  	p2 =	sgt.s32 s15, $0x3FFF  }
0x1b: {  	s15 =	smov.u32 @p2 s2;
	p2 =	sne.s32 s12, s9  }
.Ltmp1:
0x1c: {  	p1 =	slt.u32 s12, $0x2;
	(pc) =	sbr.rel @!p2 .LBB2_6-.Ltmp1, $4  }
0x1d: {  	s14 =	simm.s32 @!p1 $0x3  }
0x1e: {  	s16 =	sadd.s32 $0x1, s12;
	_ =	swait.ge @!p1 [sflag:s14], $0x100  }
0x1f: {  	s13 =	smov.u32 s11;
	p0 =	por !p0, !p0;
	[sflag:s14] =	ssyncset.done @!p1 $0x0  }
0x20: {  	s12 =	smov.u32 s16;
	s11 =	smov.u32 s15;
	[sflag:s14] =	ssyncadd.s32 @!p1 $0xFFFFFF00  }
.LBB2_1:
0x21: {  	p1 =	sge.u32 s12, s8  }
0x22: {  	s14 =	sxor.u32 @!p1 $0xFFFFFFFF, s12  }
0x23: {  	s31 =	sadd.s32 $0xFFFFFFFF, s12;
	s15 =	sshrl.u32 @!p1 s11, $0x3;
	s14 =	sshll.u32 @!p1 s14, $0x8  }
0x24: {  	s16 =	sand.u32 @!p1 $0x7, s11;
	s15 =	sadd.s32 @!p1 s4, s15;
	s14 =	sand.u32 @!p1 $0x100, s14  }
0x25: {  	[tilespmem:s14], [sflag:$0x2] =	stream.linear.gather @!p1 [hbm4b:s15+s16], $0x100, $0x38;
	[tilespmem:$0x400] =	vst v63  }
0x26: {  	p1 =	sge.u32 s31, s8  }
.Ltmp2:
0x27: {  	_ = 	snop;
	(pc) =	sbr.rel @p1 .LBB2_5-.Ltmp2, $1  }
0x28: {  	_ =	sdelay $0x3  }
0x29: {  	s14 =	simm.s32 $0x1  }
0x2a: {  	_ =	swait.ge [sflag:s7], $0x100;
	s14 =	simm.s32 @!p0 $0x0  }
0x2b: {  	[sflag:s7] =	ssyncset.done $0x0;
	s14 =	sshll.u32 s14, $0x8  }
0x2c: {  	[sflag:s7] =	ssyncadd.s32 $0xFFFFFF00;
	(ifvalue) =	ssetifvalue $0x7FFFFFFF;
	v0 =	vld.msk [tilespmem:s14+$0x0 ss:$0x1], $0xffff;
	_ =	sdelay $0x4  }
0x2d: {  	s15 =	sadd.s32 $0x10, s14;
	vm1 =	vgt.s32 v0, $0x0  }
0x2e: {  	v2 =	vld.msk [tilespmem:s15+$0x0 ss:$0x1], $0xffff;
	v1 =	vnsel vm1, $0x0, v0  }
0x2f: {  	v1 =	vmin.u32 v1, $0x3FFF;
	_ =	sdelay $0x1  }
0x30: {  	s16 =	sshll.u32 s12, $0x8;
	s18 =	simm.s32 $0x20  }
0x31: {  	s16 =	sand.u32 $0x100, s16;
	s17 =	sadd.s32 $0x10, s15;
	s15 =	sor.u32 $0x200, s14  }
0x32: {  	s14 =	sor.u32 $0x200, s16;
	s16 =	sadd.s32 $0x10, s15;
	v0 =	vld.msk [tilespmem:s17+$0x0 ss:$0x1], $0xffff;
	vm1 =	vgt.s32 v2, $0x0;
	(ifvalue) =	ssetifvalue $0x7FFFFFFF  }
.LBB2_3:
0x33: {  	[tilespmem:s15], [sflag:$0x1] =	stream.indirect_vreg.gather [hbm4b:s3+s10], $0x1, v1, vm0, $0x4038;
	[tilespmem:$0x400] =	vst v63  }
0x34: {  	s18 =	sadd.s32 $0x10, s18  }
0x35: {  	v2 =	vnsel vm1, $0x0, v2;
	p1 =	slt.u32 s18, $0xF0  }
.Ltmp3:
0x36: {  	s15 =	smov.u32 s16;
	v1 =	vmin.u32 v2, $0x3FFF;
	(pc) =	sbr.rel @p1 .LBB2_3-.Ltmp3, $3  }
0x37: {  	_ =	sdelay $0x1  }
0x38: {  	s17 =	sadd.s32 $0x10, s17  }
0x39: {  	vm1 =	vgt.s32 v0, $0x0;
	s16 =	sadd.s32 $0x10, s16;
	v2 =	vmov v0;
	(ifvalue) =	ssetifvalue $0x7FFFFFFF;
	v0 =	vld.msk [tilespmem:s17+$0x0 ss:$0x1], $0xffff  }
.Ltmp4:
0x3a: {  	_ = 	snop;
	(pc) =	sbr.rel .LBB2_4-.Ltmp4, $1  }
0x3b: {  	_ =	sdelay $0x3  }
.LBB2_6:
0x3c: {  	_ =	sfence.sel $0x180000  }
0x3d: {  	s2 =	simm.s32 $0x2;
	[bflag:$0x0] =	sbarrier.arrive $0xFFFF  }
0x3e: {  	s30 =	simm.s32 $0x3;
	[sflag:s2] =	ssyncpa.u1 $0x1  }
0x3f: {  	s31 =	simm.s32 $0x1;
	[sflag:s30] =	ssyncpa.u1 $0x1  }
0x40: {  	[sflag:s31] =	ssyncpa.u1 $0x1  }
0x41: {  	p0 =	sne.s32 s1, $0x0;
	_ =	strace $0x9000004A  }
0x42: {  	s0 =	sadd.s32 @!p0 $0x100000, s0;
	[bflag:$0x2] =	sbarrier.arrive $0xFFFF  }
0x43: {  	[sflag:s0] =	ssyncadd.tile.s32 @!p0 $0x1;
	_ =	shalt  }
.Lfunc_end2:
_tile_overlayer_lowered:
.L_overlay_start_2:
0x44: {  	(tag) =	ssettag $0x2  }
0x45: {  	s0 =	rddreg [dreg:$0x0];
	s2 =	stileid.u32  }
0x46: {  	s1 =	rddreg [dreg:$0x1];
	p0 =	sne.s32 s2, $0x0  }
0x47: {  	s3 =	rddreg [dreg:$0x2];
	[bflag:$0x3] =	sbarrier.arrive $0xFFFF;
	s2 =	simm.s32 @!p0 $0x1C01  }
0x48: {  	[timem:s3], [sflag:s2] =	dma.local @!p0 [hbm:s0], s1  }
0x49: {  	s0 =	simm.s32 @!p0 $0x1  }
0x4a: {  	_ =	swait.ge @!p0 [sflag:s0], s1  }
0x4b: {  	s1 =	ssub.s32 @!p0 $0x0, s1;
	[sflag:s0] =	ssyncset.done @!p0 $0x0  }
0x4c: {  	[sflag:s0] =	ssyncadd.s32 @!p0 s1  }
0x4d: {  	[bflag:$0x3] =	sbarrier.arrive $0xFFFF  }
0x4e: {  	_ =	shalt  }

// kernel: gather_offload_async_start
scs
__scs_entry_jumppad:
0x0: {  	(pc) =	sbr.rel $0x88, $3  }
0x1: {  	(tag) =	ssettag $0x0;
	lr =	simm.s32 $0x1  }
0x2: {  	[smem:$0x3F9B] =	sst lr;
	_ =	strace $0xD0000000  }
0x3: {  	_ = 	snop  }
0x4: {  	_ = 	snop  }
0x5: {  	_ = 	snop  }
0x6: {  	_ = 	snop  }
0x7: {  	_ = 	snop  }
__scs_overlays_trampoline_lowered:
0x8: {  	[smem:$0x3FAA] =	sst s0  }
0x9: {  	[smem:$0x3FAB] =	sst s1  }
0xa: {  	[smem:$0x3FAC] =	sst s2  }
0xb: {  	[smem:$0x3FAD] =	sst s3  }
0xc: {  	[smem:$0x3FAE] =	sst s4  }
0xd: {  	[smem:$0x3FAF] =	sst s5  }
0xe: {  	[smem:$0x3FB0] =	sst s6  }
0xf: {  	[smem:$0x3FB1] =	sst s7  }
0x10: {  	[smem:$0x3FB2] =	sst s8  }
0x11: {  	[smem:$0x3FB3] =	sst s9;
	s0 =	simm.s32 @!p0 $0x0  }
0x12: {  	s1 =	sld [smem:$0x3F99];
	s0 =	simm.s32 @p0 $0x1  }
0x13: {  	[smem:$0x3FB4] =	sst s0;
	s0 =	simm.s32 @!p1 $0x0  }
0x14: {  	s2 =	sld [smem:$0x3F98];
	s0 =	simm.s32 @p1 $0x1  }
0x15: {  	[smem:$0x3FB5] =	sst s0;
	s0 =	simm.s32 @!p2 $0x0  }
0x16: {  	s3 =	sld [smem:$0x3FDB];
	s0 =	simm.s32 @p2 $0x1  }
0x17: {  	s4 =	simm.s32 $0x1BF5;
	[smem:$0x3FB7] =	sst s0  }
0x18: {  	s0 =	sld [smem:$0x3F9A];
	_ =	swait.ge [sflag:s4], $0x0  }
0x19: {  	s7 =	sld [smem:$0x3F9B]  }
0x1a: {  	s8 =	sadd.s32 $0xFFFFE003, lr  }
0x1b: {  	s9 =	sadd.s32 $0xFFFFFEF7, lr;
	s5 =	simm.s32 $0xFFFFFFFF;
	p2 =	slt.u32 s8, $0xFFFFF086  }
0x1c: {  	p1 =	slt.u32 s9, $0xF7A;
	s5 =	simm.s32 @!p2 $0x0  }
0x1d: {  	s5 =	simm.s32 @p1 $0x1;
	p0 =	seq.s32 s7, s2  }
0x1e: {  	s7 =	smul.u32 @!p0 $0xF7A, s2;
	p2 =	seq.s32 @!p0 s5, $0x0  }
0x1f: {  	s9 =	smul.u32 $0xF7A, s1;
	s8 =	simm.s32 @!p0 $0x1BF5;
	p2 =	por !p2, p0  }
0x20: {  	[sflag:s8] =	ssyncset.s32 @!p0 $0xFFFFF086;
	s6 =	sadd.s32 @!p0 s3, s7;
	s7 =	simm.s32 @!p0 $0x108  }
0x21: {  	s3 =	sadd.s32 s3, s9;
	s6 =	sadd.s32 @!p0 $0x88, s6;
	s7 =	simm.s32 @p2 $0x1082  }
0x22: {  	[simem:s7], [sflag:s8] =	dma.local @!p0 [hbm:s6], $0xF7A  }
0x23: {  	s9 =	sor.u32 $0xD0000000, s2;
	s6 =	simm.s32 $0x108;
	_ =	swait.ge @!p0 [sflag:s8], $0x0  }
0x24: {  	s3 =	sadd.s32 $0x88, s3;
	s6 =	simm.s32 @!p1 $0x1082;
	[sflag:s4] =	ssyncset.s32 $0xFFFFF086  }
0x25: {  	[simem:s6], [sflag:s4] =	dma.local [hbm:s3], $0xF7A  }
0x26: {  	[smem:$0x3F9B] =	sst s1;
	(tag) =	ssettag s2;
	_ =	strace s9  }
0x27: {  	s1 =	sld [smem:$0x3FAB]  }
0x28: {  	s2 =	sld [smem:$0x3FAC]  }
0x29: {  	s4 =	sld [smem:$0x3FAE]  }
0x2a: {  	p0 =	seq.s32 s5, $0x0;
	s5 =	sld [smem:$0x3FAF]  }
0x2b: {  	s6 =	sld [smem:$0x3FB0]  }
0x2c: {  	s7 =	sld [smem:$0x3FB1]  }
0x2d: {  	s3 =	simm.s32 $0x108;
	s8 =	sld [smem:$0x3FB2]  }
0x2e: {  	s3 =	simm.s32 @!p0 $0x1082;
	s9 =	sld [smem:$0x3FB3]  }
0x2f: {  	lr =	sadd.s32 s0, s3;
	s0 =	sld [smem:$0x3FAA]  }
0x30: {  	s3 =	sld [smem:$0x3FAD]  }
0x31: {  	[smem:$0x3FB6] =	sst s10  }
0x32: {  	s10 =	sld [smem:$0x3FB4];
	_ =	sdelay $0x3  }
0x33: {  	p0 =	seq.s32 s10, $0x1;
	s10 =	sld [smem:$0x3FB6];
	_ =	sdelay $0x3  }
0x34: {  	[smem:$0x3FB6] =	sst s10  }
0x35: {  	s10 =	sld [smem:$0x3FB5];
	_ =	sdelay $0x3  }
0x36: {  	p1 =	seq.s32 s10, $0x1;
	s10 =	sld [smem:$0x3FB6];
	_ =	sdelay $0x3  }
0x37: {  	[smem:$0x3FB6] =	sst s10  }
0x38: {  	s10 =	sld [smem:$0x3FB7]  }
0x39: {  	_ = 	snop;
	(pc) =	sbr.ind lr, $3  }
0x3a: {  	_ = 	snop  }
0x3b: {  	_ = 	snop  }
0x3c: {  	p2 =	seq.s32 s10, $0x1;
	s10 =	sld [smem:$0x3FB6]  }
0x3d: {  	_ =	shalt  }
0x3e: {  	_ =	shalt  }
0x3f: {  	_ =	shalt  }
0x40: {  	_ =	shalt  }
0x41: {  	_ =	shalt  }
0x42: {  	_ =	shalt  }
0x43: {  	_ =	shalt  }
0x44: {  	_ =	shalt  }
0x45: {  	_ =	shalt  }
0x46: {  	_ =	shalt  }
0x47: {  	_ =	shalt  }
0x48: {  	_ =	shalt  }
0x49: {  	_ =	shalt  }
0x4a: {  	_ =	shalt  }
0x4b: {  	_ =	shalt  }
0x4c: {  	_ =	shalt  }
0x4d: {  	_ =	shalt  }
0x4e: {  	_ =	shalt  }
0x4f: {  	_ =	shalt  }
0x50: {  	_ =	shalt  }
0x51: {  	_ =	shalt  }
0x52: {  	_ =	shalt  }
0x53: {  	_ =	shalt  }
0x54: {  	_ =	shalt  }
0x55: {  	_ =	shalt  }
0x56: {  	_ =	shalt  }
0x57: {  	_ =	shalt  }
0x58: {  	_ =	shalt  }
0x59: {  	_ =	shalt  }
0x5a: {  	_ =	shalt  }
0x5b: {  	_ =	shalt  }
0x5c: {  	_ =	shalt  }
0x5d: {  	_ =	shalt  }
0x5e: {  	_ =	shalt  }
0x5f: {  	_ =	shalt  }
0x60: {  	_ =	shalt  }
0x61: {  	_ =	shalt  }
0x62: {  	_ =	shalt  }
0x63: {  	_ =	shalt  }
0x64: {  	_ =	shalt  }
0x65: {  	_ =	shalt  }
0x66: {  	_ =	shalt  }
0x67: {  	_ =	shalt  }
0x68: {  	_ =	shalt  }
0x69: {  	_ =	shalt  }
0x6a: {  	_ =	shalt  }
0x6b: {  	_ =	shalt  }
0x6c: {  	_ =	shalt  }
0x6d: {  	_ =	shalt  }
0x6e: {  	_ =	shalt  }
0x6f: {  	_ =	shalt  }
0x70: {  	_ =	shalt  }
0x71: {  	_ =	shalt  }
0x72: {  	_ =	shalt  }
0x73: {  	_ =	shalt  }
0x74: {  	_ =	shalt  }
0x75: {  	_ =	shalt  }
0x76: {  	_ =	shalt  }
0x77: {  	_ =	shalt  }
0x78: {  	_ =	shalt  }
0x79: {  	_ =	shalt  }
0x7a: {  	_ =	shalt  }
0x7b: {  	_ =	shalt  }
0x7c: {  	_ =	shalt  }
0x7d: {  	_ =	shalt  }
0x7e: {  	_ =	shalt  }
0x7f: {  	_ =	shalt  }
0x80: {  	_ =	shalt  }
0x81: {  	_ =	shalt  }
0x82: {  	_ =	shalt  }
0x83: {  	_ =	shalt  }
0x84: {  	_ =	shalt  }
0x85: {  	_ =	shalt  }
0x86: {  	_ =	shalt  }
0x87: {  	_ =	shalt  }
.Lfunc_end0:
.L_simem_size_0:
called_computation.1_lowered:
.L_overlay_start_0:
0x88: {  	s2 =	sld [smem:$0x3FD9]  }
0x89: {  	s3 =	sld [smem:$0x3FFE];
	_ =	sdelay $0x1  }
0x8a: {  	s1 =	srdreg.scid  }
0x8b: {  	s0 =	sand.u32 $0x1, s1  }
0x8c: {  	s17 =	sshll.u32 s0, $0xA;
	s2 =	sadd.s32 s3, s2  }
0x8d: {  	s2 =	sadd.s32 s2, s17  }
0x8e: {  	[smem:$0x3FC2] =	sst s2  }
0x8f: {  	_ = 	snop  }
0x90: {  	s18 =	sld [smem:$0x3FC9];
	(tm) =	ssettm $0x1  }
0x91: {  	s19 =	sld [smem:$0x3FFB];
	_ =	sdelay $0x3  }
0x92: {  	_ =	strace s19  }
0x93: {  	s2 =	sld [smem:$0x3FFC];
	_ =	sdelay $0x3  }
0x94: {  	_ =	strace s2  }
0x95: {  	s2 =	sld [smem:$0x3FFD];
	_ =	sdelay $0x3  }
0x96: {  	_ =	strace s2  }
0x97: {  	_ =	strace $0x8FFFFFFF  }
0x98: {  	s20 =	sld [smem:$0x3FDB];
	_ =	sdelay $0x1  }
0x99: {  	s4 =	simm.s32 $_scs_section_size  }
0x9a: {  	s5 =	simm.s32 $_size__tile_overlayer_lowered;
	s6 =	simm.s32 $_tile_overlayer_lowered  }
0x9b: {  	s7 =	simm.s32 $0x1BFF;
	s21 =	sshll.u32 s6, $0x1;
	s4 =	sadd.s32 s4, s20  }
0x9c: {  	s22 =	simm.s32 $0x0;
	s5 =	sshll.u32 s5, $0x1;
	s6 =	sadd.s32 s21, s4  }
0x9d: {  	[timem:s22], [sflag:s7] =	dma.local [hbm:s6], s5  }
0x9e: {  	_ =	swait.ge [sflag:s7], s5  }
0x9f: {  	s5 =	ssub.s32 $0x0, s5;
	[sflag:s7] =	ssyncset.done $0x0  }
0xa0: {  	[sflag:s7] =	ssyncadd.s32 s5;
	_ =	sdelay $0x1  }
0xa1: {  	s23 =	simm.s32 $0x1B8B  }
0xa2: {  	_ =	swait.ge [sflag:s23], $0x1  }
0xa3: {  	[sflag:s23] =	ssyncset.done $0x0  }
0xa4: {  	[sflag:s23] =	ssyncadd.s32 $0xFFFFFFFF  }
0xa5: {  	s5 =	sld [smem:$0x0]  }
0xa6: {  	s6 =	sand.u32 $0xFFFFFFFE, s1  }
0xa7: {  	p0 =	sne.s32 s1, s6  }
0xa8: {  	s6 =	sshll.u32 @p0 s6, $0xE  }
0xa9: {  	s6 =	sadd.s32 @p0 $0x11B8D, s6;
	s7 =	sshll.u32 @p0 s5, $0x11  }
0xaa: {  	s6 =	sor.u32 @p0 s7, s6  }
0xab: {  	[sflag:s6] =	ssyncadd.remote.s32 @p0 $0x1;
	_ =	sdelay $0x1  }
0xac: {  	s6 =	simm.s32 @p0 $0x1B8D  }
0xad: {  	_ =	swait.eq @p0 [sflag:s6], $0x1  }
0xae: {  	[sflag:s6] =	ssyncadd.s32 @p0 $0xFFFFFFFF  }
0xaf: {  	s7 =	sshll.u32 @!p0 s1, $0xE  }
0xb0: {  	s7 =	sor.u32 @!p0 $0x4000, s7;
	s6 =	simm.s32 @!p0 $0x1B8D  }
0xb1: {  	s5 =	sshll.u32 @!p0 s5, $0x11;
	s7 =	sadd.s32 @!p0 $0x11B8D, s7;
	_ =	swait.eq @!p0 [sflag:s6], $0x1  }
0xb2: {  	s5 =	sor.u32 @!p0 s5, s7;
	[sflag:s6] =	ssyncadd.s32 @!p0 $0xFFFFFFFF  }
0xb3: {  	s25 =	simm.s32 $0x1B8E;
	s24 =	sld [smem:$0x3FFE];
	[sflag:s5] =	ssyncadd.remote.s32 @!p0 $0x1  }
0xb4: {  	s26 =	simm.s32 $execute0_lowered;
	[smem:$0x3FD2] =	sst s25  }
0xb5: {  	s6 =	sshll.u32 s26, $0x1;
	_ =	strace $0x8000004F;
	[dreg:$0x1] =	wrdreg $0xFFFFFFFF  }
0xb6: {  	s28 =	simm.s32 $_size_execute0_lowered;
	s4 =	sadd.s32 s4, s6;
	[dreg:$0x0] =	wrdreg $0x0  }
0xb7: {  	s6 =	sshll.u32 s28, $0x1;
	[dreg:$0x2] =	wrdreg s4  }
0xb8: {  	[dreg:$0x3] =	wrdreg s6  }
0xb9: {  	[dreg:$0x4] =	wrdreg $0xC0  }
0xba: {  	_ =	task [dreg:s22], $0x5FFFF  }
0xbb: {  	[dreg:$0x1] =	wrdreg $0xFFFFFFFF  }
0xbc: {  	[dreg:$0x0] =	wrdreg $0x60  }
0xbd: {  	[dreg:$0x2] =	wrdreg s18  }
0xbe: {  	[dreg:$0x3] =	wrdreg s24  }
0xbf: {  	[dreg:$0x4] =	wrdreg $0xA  }
0xc0: {  	_ =	task.clear_ibuf [dreg:s22], $0x5FFFF;
	_ =	strace $0x9000004F  }
0xc1: {  	s29 =	simm.s32 $0xA;
	_ =	strace $0x80000051  }
0xc2: {  	_ =	swait.ge [sflag:s29], $0x1  }
0xc3: {  	[sflag:s29] =	ssyncadd.s32 $0xFFFFFFFF  }
0xc4: {  	_ =	strace $0x90000051  }
0xc5: {  	_ =	sfence  }
0xc6: {  	s30 =	sld [smem:$0x0];
	_ =	sdelay $0x2  }
0xc7: {  	s31 =	sshll.u32 s1, $0xD;
	s1 =	sshrl.u32 s1, $0x2  }
0xc8: {  	s4 =	sand.u32 $0x4000, s31;
	s1 =	sadd.s32 s1, s30  }
0xc9: {  	s0 =	sor.u32 s4, s0;
	s1 =	sshll.u32 s1, $0x11  }
0xca: {  	s0 =	sor.u32 s1, s0  }
0xcb: {  	s0 =	sadd.s32 $0x8F2B, s0  }
0xcc: {  	[sflag:s0] =	ssyncadd.remote.s32 $0x1  }
0xcd: {  	_ =	sfence.sel $0xFFFF  }
0xce: {  	[dreg:$0x0] =	wrdreg $0xFFFFFFFF;
	(pc) =	sbr.abs _section_cstart, $3  }
0xcf: {  	[dreg:$0x1] =	wrdreg $0xFFFFFFFF  }
0xd0: {  	_ =	task.clear_ibuf [dreg:s22], $0x2FFFF;
	_ =	strace $0x9FFFFFFF  }
0xd1: {  	(tm) =	ssettm $0x7FFFFFFF  }
tec
execute0_lowered:
.L_overlay_start_1:
0x0: {  	(tag) =	ssettag $0x1  }
0x1: {  	s2 =	rddreg [dreg:$0x0]  }
0x2: {  	s7 =	rddreg [dreg:$0x1]  }
0x3: {  	s0 =	rddreg [dreg:$0x2]  }
0x4: {  	s1 =	srdreg.scid;
	_ =	strace $0x80000050;
	s4 =	simm.s32 $0x1  }
0x5: {  	s9 =	simm.s32 $0x3;
	s11 =	simm.s32 $0x0;
	s5 =	sshll.u32 s1, $0x4  }
.Ltmp0:
0x6: {  	s1 =	stileid.u32;
	s5 =	sand.u32 $0x10, s5;
	(pc) =	sbr.rel .LBB2_1-.Ltmp0, $4  }
0x7: {  	p0 =	por $0x0, $0x0;
	s3 =	sadd.s32 $0x2000, s7;
	s6 =	sor.u32 s1, s5  }
0x8: {  	[sflag:s4] =	ssyncpa.u1 $0x0;
	s5 =	simm.s32 $0x2;
	s6 =	sshll.u32 s6, $0x9  }
0x9: {  	s7 =	sadd.s32 $0x4200, s7;
	[sflag:s5] =	ssyncpa.u1 $0x0;
	s8 =	sadd.s32 $0x200, s6  }
0xa: {  	vm0 =	vmmov $0xff;
	vm1 =	vcmask $0x3F20;
	[sflag:s9] =	ssyncpa.u1 $0x0;
	s10 =	smov.u32 s6;
	s9 =	simm.s32 $0x0  }
.LBB2_9:
0xb: {  	p1 =	slt.u32 s9, $0x2;
	s11 =	sadd.s32 $0x20, s10  }
0xc: {  	s13 =	smov.u32 s6;
	s9 =	sadd.s32 $0x1, s9;
	p2 =	slt.s32 s11, s8  }
0xd: {  	s13 =	smov.u32 @p2 s11;
	p2 =	sne.s32 s9, $0x12  }
.Ltmp1:
0xe: {  	_ = 	snop;
	(pc) =	sbr.rel @!p2 .LBB2_10-.Ltmp1, $4  }
0xf: {  	s12 =	simm.s32 @!p1 $0x3  }
0x10: {  	_ =	swait.ge @!p1 [sflag:s12], $0x8000  }
0x11: {  	p0 =	por !p0, !p0;
	[sflag:s12] =	ssyncset.done @!p1 $0x0  }
0x12: {  	s11 =	smov.u32 s10;
	s10 =	smov.u32 s13;
	[sflag:s12] =	ssyncadd.s32 @!p1 $0xFFFF8000  }
.LBB2_1:
0x13: {  	p1 =	sgt.u32 s9, $0xF  }
0x14: {  	s12 =	sxor.u32 @!p1 $0xFFFFFFFF, s9  }
0x15: {  	s13 =	sshrl.u32 @!p1 s10, $0x3;
	s12 =	sshll.u32 @!p1 s12, $0x5  }
0x16: {  	s14 =	sand.u32 @!p1 $0x7, s10;
	s13 =	sadd.s32 @!p1 s3, s13;
	s12 =	sand.u32 @!p1 $0x20, s12  }
0x17: {  	[tilespmem:s12], [sflag:$0x2] =	stream.linear.gather @!p1 [hbm4b:s13+s14], $0x20, $0x38;
	[tilespmem:$0x10040] =	vst v63  }
0x18: {  	p1 =	seq.s32 s9, $0x0  }
0x19: {  	p2 =	seq.s32 @!p1 s9, $0x11  }
0x1a: {  	p1 =	por p1, p2  }
.Ltmp2:
0x1b: {  	_ = 	snop;
	(pc) =	sbr.rel @p1 .LBB2_9-.Ltmp2, $1  }
0x1c: {  	_ =	sdelay $0x3  }
0x1d: {  	s12 =	simm.s32 $0x1  }
0x1e: {  	_ =	swait.ge [sflag:s5], $0x20;
	s13 =	sand.u32 $0x1, s9;
	s12 =	simm.s32 @!p0 $0x0  }
0x1f: {  	s15 =	simm.s32 $0x0;
	p2 =	por $0x1, $0x1;
	s12 =	sshll.u32 s12, $0x11  }
0x20: {  	[sflag:s5] =	ssyncset.done $0x0;
	s13 =	sshll.u32 s13, $0x5;
	s14 =	sshrl.u32 s12, $0x2  }
0x21: {  	[sflag:s5] =	ssyncadd.s32 $0xFFFFFFE0;
	s12 =	sor.u32 $0x40, s14;
	s14 =	sadd.s32 $0x40, s14  }
.LBB2_3:
0x22: {  	s16 =	sshll.u32 s15, $0x4  }
0x23: {  	s16 =	sand.u32 $0x3FFFFFF0, s16  }
0x24: {  	s16 =	sadd.s32 s16, s13  }
0x25: {  	v0 =	vld.msk [tilespmem:s16+$0x0 ss:$0x1], $0xffff;
	_ =	sdelay $0x4  }
0x26: {  	vm2 =	vgt.s32 v0, $0x0  }
0x27: {  	v0 =	vnsel vm2, $0x0, v0  }
0x28: {  	v0 =	vmin.u32 v0, $0x3FFF  }
0x29: {  	v1 =	vshll.u32 v0, $0x7;
	v0 =	vshll.u32 v0, $0x4  }
0x2a: {  	v1 =	vand.u32 $0x1FFC00, v1;
	v0 =	vand.u32 $0x70, v0  }
0x2b: {  	v0 =	vor.u32 v0, v1  }
0x2c: {  	s31 =	sshll.u32 s15, $0x10  }
0x2d: {  	s15 =	sshra.s32 s31, $0x2  }
0x2e: {  	s15 =	sadd.s32 s15, s14  }
0x2f: {  	s17 =	sadd.s32 $0x0, s15  }
0x30: {  	[tilespmem:s17], [sflag:$0x1] =	stream.indirect_vreg.gather [hbm:s2], $0x80, v0, vm0, $0x38;
	[tilespmem:$0x10040] =	vst v63  }
0x31: {  	p1 =	por p2, p2;
	s16 =	simm.s32 $0x1000;
	v1 =	vadd.s32 $0x80, v0;
	s17 =	sadd.s32 $0x2000, s17  }
.LBB2_4:
0x32: {  	[tilespmem:s17], [sflag:$0x1] =	stream.indirect_vreg.gather [hbm:s2], $0x80, v0, vm1, $0x38;
	[tilespmem:$0x10040] =	vst v63  }
0x33: {  	v0 =	vmov v1;
	s17 =	smov.u32 s16;
	p2 =	sne.s32 s16, $0x7000  }
.Ltmp3:
0x34: {  	s16 =	sadd.s32 $0x1000, s16;
	(pc) =	sbr.rel @p2 .LBB2_4-.Ltmp3, $4  }
0x35: {  	s17 =	sshra.s32 s17, $0x2  }
0x36: {  	s17 =	sadd.s32 s17, s15  }
0x37: {  	[tilespmem:s17], [sflag:$0x1] =	stream.indirect_vreg.gather [hbm:s2], $0x80, v1, vm0, $0x38;
	[tilespmem:$0x10040] =	vst v63  }
0x38: {  	s17 =	sadd.s32 $0x2000, s17;
	v1 =	vadd.s32 $0x80, v1  }
0x39: {  	_ = 	snop  }
.Ltmp4:
0x3a: {  	_ = 	snop;
	(pc) =	sbr.rel @p1 .LBB2_3-.Ltmp4, $3  }
0x3b: {  	_ =	sdelay $0x1  }
0x3c: {  	[tilespmem:s17], [sflag:$0x1] =	stream.indirect_vreg.gather [hbm:s2], $0x80, v0, vm1, $0x38;
	[tilespmem:$0x10040] =	vst v63  }
0x3d: {  	s15 =	simm.s32 $0x1;
	p2 =	por $0x0, $0x0  }
0x3e: {  	s13 =	sshll.u32 s11, $0x7  }
0x3f: {  	s31 =	sshll.u32 s11, $0x4;
	s13 =	sand.u32 $0xFFFFFC00, s13  }
0x40: {  	_ =	swait.ge [sflag:s4], $0x8000;
	s11 =	sand.u32 $0x70, s31;
	s13 =	sadd.s32 s13, s7  }
0x41: {  	s14 =	sadd.s32 $0x2000, s12;
	[sflag:s4] =	ssyncset.done $0x0;
	s11 =	sadd.s32 s11, s13  }
0x42: {  	[sflag:s4] =	ssyncadd.s32 $0xFFFF8000;
	s13 =	simm.s32 $0x400;
	s15 =	sadd.s32 $0x0, s11  }
.LBB2_7:
0x43: {  	[hbm:s15] =	stream.linear.scatter [tilespmem:s12], [sflag:$0x3], $0x2000, $0x38;
	[tilespmem:$0x10040] =	vst v63  }
0x44: {  	s15 =	smov.u32 s13;
	s12 =	smov.u32 s14;
	p1 =	sne.s32 s13, $0xC00  }
.Ltmp5:
0x45: {  	s13 =	sadd.s32 $0x400, s13;
	(pc) =	sbr.rel @p1 .LBB2_7-.Ltmp5, $2  }
0x46: {  	_ =	sdelay $0x2  }
0x47: {  	s14 =	sadd.s32 $0x2000, s14;
	s15 =	sadd.s32 s15, s11  }
.Ltmp6:
0x48: {  	(pc) =	sbr.rel .LBB2_9-.Ltmp6, $2  }
0x49: {  	_ =	sdelay $0x2  }
0x4a: {  	[hbm:s15] =	stream.linear.scatter [tilespmem:s12], [sflag:$0x3], $0x2000, $0x38;
	[tilespmem:$0x10040] =	vst v63  }
.LBB2_10:
0x4b: {  	_ =	sfence.sel $0x180000  }
0x4c: {  	s2 =	simm.s32 $0x2;
	[bflag:$0x0] =	sbarrier.arrive $0xFFFF  }
0x4d: {  	s30 =	simm.s32 $0x3;
	[sflag:s2] =	ssyncpa.u1 $0x1  }
0x4e: {  	s31 =	simm.s32 $0x1;
	[sflag:s30] =	ssyncpa.u1 $0x1  }
0x4f: {  	[sflag:s31] =	ssyncpa.u1 $0x1  }
0x50: {  	p0 =	sne.s32 s1, $0x0;
	_ =	strace $0x90000050  }
0x51: {  	s0 =	sadd.s32 @!p0 $0x100000, s0;
	[bflag:$0x2] =	sbarrier.arrive $0xFFFF  }
0x52: {  	[sflag:s0] =	ssyncadd.tile.s32 @!p0 $0x1;
	_ =	shalt  }
.Lfunc_end2:
_tile_overlayer_lowered:
.L_overlay_start_2:
0x53: {  	(tag) =	ssettag $0x2  }
0x54: {  	s0 =	rddreg [dreg:$0x0];
	s2 =	stileid.u32  }
0x55: {  	s1 =	rddreg [dreg:$0x1];
	p0 =	sne.s32 s2, $0x0  }
0x56: {  	s3 =	rddreg [dreg:$0x2];
	[bflag:$0x3] =	sbarrier.arrive $0xFFFF;
	s2 =	simm.s32 @!p0 $0x1C01  }
0x57: {  	[timem:s3], [sflag:s2] =	dma.local @!p0 [hbm:s0], s1  }
0x58: {  	s0 =	simm.s32 @!p0 $0x1  }
0x59: {  	_ =	swait.ge @!p0 [sflag:s0], s1  }
0x5a: {  	s1 =	ssub.s32 @!p0 $0x0, s1;
	[sflag:s0] =	ssyncset.done @!p0 $0x0  }
0x5b: {  	[sflag:s0] =	ssyncadd.s32 @!p0 s1  }
0x5c: {  	[bflag:$0x3] =	sbarrier.arrive $0xFFFF  }
0x5d: {  	_ =	shalt  }

// kernel: scatter_offload_async_start
scs
__scs_entry_jumppad:
0x0: {  	(pc) =	sbr.rel $0x88, $3  }
0x1: {  	(tag) =	ssettag $0x0;
	lr =	simm.s32 $0x1  }
0x2: {  	[smem:$0x3F9B] =	sst lr;
	_ =	strace $0xD0000000  }
0x3: {  	_ = 	snop  }
0x4: {  	_ = 	snop  }
0x5: {  	_ = 	snop  }
0x6: {  	_ = 	snop  }
0x7: {  	_ = 	snop  }
__scs_overlays_trampoline_lowered:
0x8: {  	[smem:$0x3FAA] =	sst s0  }
0x9: {  	[smem:$0x3FAB] =	sst s1  }
0xa: {  	[smem:$0x3FAC] =	sst s2  }
0xb: {  	[smem:$0x3FAD] =	sst s3  }
0xc: {  	[smem:$0x3FAE] =	sst s4  }
0xd: {  	[smem:$0x3FAF] =	sst s5  }
0xe: {  	[smem:$0x3FB0] =	sst s6  }
0xf: {  	[smem:$0x3FB1] =	sst s7  }
0x10: {  	[smem:$0x3FB2] =	sst s8  }
0x11: {  	[smem:$0x3FB3] =	sst s9;
	s0 =	simm.s32 @!p0 $0x0  }
0x12: {  	s1 =	sld [smem:$0x3F99];
	s0 =	simm.s32 @p0 $0x1  }
0x13: {  	[smem:$0x3FB4] =	sst s0;
	s0 =	simm.s32 @!p1 $0x0  }
0x14: {  	s2 =	sld [smem:$0x3F98];
	s0 =	simm.s32 @p1 $0x1  }
0x15: {  	[smem:$0x3FB5] =	sst s0;
	s0 =	simm.s32 @!p2 $0x0  }
0x16: {  	s3 =	sld [smem:$0x3FDB];
	s0 =	simm.s32 @p2 $0x1  }
0x17: {  	s4 =	simm.s32 $0x1BF5;
	[smem:$0x3FB7] =	sst s0  }
0x18: {  	s0 =	sld [smem:$0x3F9A];
	_ =	swait.ge [sflag:s4], $0x0  }
0x19: {  	s7 =	sld [smem:$0x3F9B]  }
0x1a: {  	s8 =	sadd.s32 $0xFFFFE003, lr  }
0x1b: {  	s9 =	sadd.s32 $0xFFFFFEF7, lr;
	s5 =	simm.s32 $0xFFFFFFFF;
	p2 =	slt.u32 s8, $0xFFFFF086  }
0x1c: {  	p1 =	slt.u32 s9, $0xF7A;
	s5 =	simm.s32 @!p2 $0x0  }
0x1d: {  	s5 =	simm.s32 @p1 $0x1;
	p0 =	seq.s32 s7, s2  }
0x1e: {  	s7 =	smul.u32 @!p0 $0xF7A, s2;
	p2 =	seq.s32 @!p0 s5, $0x0  }
0x1f: {  	s9 =	smul.u32 $0xF7A, s1;
	s8 =	simm.s32 @!p0 $0x1BF5;
	p2 =	por !p2, p0  }
0x20: {  	[sflag:s8] =	ssyncset.s32 @!p0 $0xFFFFF086;
	s6 =	sadd.s32 @!p0 s3, s7;
	s7 =	simm.s32 @!p0 $0x108  }
0x21: {  	s3 =	sadd.s32 s3, s9;
	s6 =	sadd.s32 @!p0 $0x88, s6;
	s7 =	simm.s32 @p2 $0x1082  }
0x22: {  	[simem:s7], [sflag:s8] =	dma.local @!p0 [hbm:s6], $0xF7A  }
0x23: {  	s9 =	sor.u32 $0xD0000000, s2;
	s6 =	simm.s32 $0x108;
	_ =	swait.ge @!p0 [sflag:s8], $0x0  }
0x24: {  	s3 =	sadd.s32 $0x88, s3;
	s6 =	simm.s32 @!p1 $0x1082;
	[sflag:s4] =	ssyncset.s32 $0xFFFFF086  }
0x25: {  	[simem:s6], [sflag:s4] =	dma.local [hbm:s3], $0xF7A  }
0x26: {  	[smem:$0x3F9B] =	sst s1;
	(tag) =	ssettag s2;
	_ =	strace s9  }
0x27: {  	s1 =	sld [smem:$0x3FAB]  }
0x28: {  	s2 =	sld [smem:$0x3FAC]  }
0x29: {  	s4 =	sld [smem:$0x3FAE]  }
0x2a: {  	p0 =	seq.s32 s5, $0x0;
	s5 =	sld [smem:$0x3FAF]  }
0x2b: {  	s6 =	sld [smem:$0x3FB0]  }
0x2c: {  	s7 =	sld [smem:$0x3FB1]  }
0x2d: {  	s3 =	simm.s32 $0x108;
	s8 =	sld [smem:$0x3FB2]  }
0x2e: {  	s3 =	simm.s32 @!p0 $0x1082;
	s9 =	sld [smem:$0x3FB3]  }
0x2f: {  	lr =	sadd.s32 s0, s3;
	s0 =	sld [smem:$0x3FAA]  }
0x30: {  	s3 =	sld [smem:$0x3FAD]  }
0x31: {  	[smem:$0x3FB6] =	sst s10  }
0x32: {  	s10 =	sld [smem:$0x3FB4];
	_ =	sdelay $0x3  }
0x33: {  	p0 =	seq.s32 s10, $0x1;
	s10 =	sld [smem:$0x3FB6];
	_ =	sdelay $0x3  }
0x34: {  	[smem:$0x3FB6] =	sst s10  }
0x35: {  	s10 =	sld [smem:$0x3FB5];
	_ =	sdelay $0x3  }
0x36: {  	p1 =	seq.s32 s10, $0x1;
	s10 =	sld [smem:$0x3FB6];
	_ =	sdelay $0x3  }
0x37: {  	[smem:$0x3FB6] =	sst s10  }
0x38: {  	s10 =	sld [smem:$0x3FB7]  }
0x39: {  	_ = 	snop;
	(pc) =	sbr.ind lr, $3  }
0x3a: {  	_ = 	snop  }
0x3b: {  	_ = 	snop  }
0x3c: {  	p2 =	seq.s32 s10, $0x1;
	s10 =	sld [smem:$0x3FB6]  }
0x3d: {  	_ =	shalt  }
0x3e: {  	_ =	shalt  }
0x3f: {  	_ =	shalt  }
0x40: {  	_ =	shalt  }
0x41: {  	_ =	shalt  }
0x42: {  	_ =	shalt  }
0x43: {  	_ =	shalt  }
0x44: {  	_ =	shalt  }
0x45: {  	_ =	shalt  }
0x46: {  	_ =	shalt  }
0x47: {  	_ =	shalt  }
0x48: {  	_ =	shalt  }
0x49: {  	_ =	shalt  }
0x4a: {  	_ =	shalt  }
0x4b: {  	_ =	shalt  }
0x4c: {  	_ =	shalt  }
0x4d: {  	_ =	shalt  }
0x4e: {  	_ =	shalt  }
0x4f: {  	_ =	shalt  }
0x50: {  	_ =	shalt  }
0x51: {  	_ =	shalt  }
0x52: {  	_ =	shalt  }
0x53: {  	_ =	shalt  }
0x54: {  	_ =	shalt  }
0x55: {  	_ =	shalt  }
0x56: {  	_ =	shalt  }
0x57: {  	_ =	shalt  }
0x58: {  	_ =	shalt  }
0x59: {  	_ =	shalt  }
0x5a: {  	_ =	shalt  }
0x5b: {  	_ =	shalt  }
0x5c: {  	_ =	shalt  }
0x5d: {  	_ =	shalt  }
0x5e: {  	_ =	shalt  }
0x5f: {  	_ =	shalt  }
0x60: {  	_ =	shalt  }
0x61: {  	_ =	shalt  }
0x62: {  	_ =	shalt  }
0x63: {  	_ =	shalt  }
0x64: {  	_ =	shalt  }
0x65: {  	_ =	shalt  }
0x66: {  	_ =	shalt  }
0x67: {  	_ =	shalt  }
0x68: {  	_ =	shalt  }
0x69: {  	_ =	shalt  }
0x6a: {  	_ =	shalt  }
0x6b: {  	_ =	shalt  }
0x6c: {  	_ =	shalt  }
0x6d: {  	_ =	shalt  }
0x6e: {  	_ =	shalt  }
0x6f: {  	_ =	shalt  }
0x70: {  	_ =	shalt  }
0x71: {  	_ =	shalt  }
0x72: {  	_ =	shalt  }
0x73: {  	_ =	shalt  }
0x74: {  	_ =	shalt  }
0x75: {  	_ =	shalt  }
0x76: {  	_ =	shalt  }
0x77: {  	_ =	shalt  }
0x78: {  	_ =	shalt  }
0x79: {  	_ =	shalt  }
0x7a: {  	_ =	shalt  }
0x7b: {  	_ =	shalt  }
0x7c: {  	_ =	shalt  }
0x7d: {  	_ =	shalt  }
0x7e: {  	_ =	shalt  }
0x7f: {  	_ =	shalt  }
0x80: {  	_ =	shalt  }
0x81: {  	_ =	shalt  }
0x82: {  	_ =	shalt  }
0x83: {  	_ =	shalt  }
0x84: {  	_ =	shalt  }
0x85: {  	_ =	shalt  }
0x86: {  	_ =	shalt  }
0x87: {  	_ =	shalt  }
.Lfunc_end0:
.L_simem_size_0:
called_computation_lowered:
.L_overlay_start_0:
0x88: {  	s0 =	sld [smem:$0x3FD9]  }
0x89: {  	s1 =	sld [smem:$0x3FFE];
	_ =	sdelay $0x3  }
0x8a: {  	s0 =	sadd.s32 s1, s0  }
0x8b: {  	[smem:$0x3FC2] =	sst s0  }
0x8c: {  	_ = 	snop  }
0x8d: {  	(tm) =	ssettm $0x1  }
0x8e: {  	s15 =	sld [smem:$0x3FFB];
	_ =	sdelay $0x3  }
0x8f: {  	_ =	strace s15  }
0x90: {  	s0 =	sld [smem:$0x3FFC];
	_ =	sdelay $0x3  }
0x91: {  	_ =	strace s0  }
0x92: {  	s0 =	sld [smem:$0x3FFD];
	_ =	sdelay $0x3  }
0x93: {  	_ =	strace s0  }
0x94: {  	_ =	strace $0x8FFFFFFF  }
0x95: {  	s16 =	sld [smem:$0x3FDB];
	_ =	sdelay $0x1  }
0x96: {  	s17 =	simm.s32 $_scs_section_size  }
0x97: {  	s2 =	simm.s32 $_size__tile_overlayer_lowered;
	s3 =	simm.s32 $_tile_overlayer_lowered  }
0x98: {  	s20 =	simm.s32 $0x1BFF;
	s19 =	sshll.u32 s3, $0x1;
	s0 =	sadd.s32 s17, s16  }
0x99: {  	s4 =	simm.s32 $0x0;
	s18 =	sshll.u32 s2, $0x1;
	s2 =	sadd.s32 s19, s0  }
0x9a: {  	[timem:s4], [sflag:s20] =	dma.local [hbm:s2], s18  }
0x9b: {  	_ =	swait.ge [sflag:s20], s18  }
0x9c: {  	s1 =	ssub.s32 $0x0, s18;
	[sflag:s20] =	ssyncset.done $0x0  }
0x9d: {  	[sflag:s20] =	ssyncadd.s32 s1;
	_ =	sdelay $0x1  }
0x9e: {  	s21 =	simm.s32 $0x1B8B  }
0x9f: {  	_ =	swait.ge [sflag:s21], $0x1  }
0xa0: {  	[sflag:s21] =	ssyncset.done $0x0  }
0xa1: {  	s23 =	simm.s32 $0x1B8E;
	s22 =	sld [smem:$0x3FFE];
	[sflag:s21] =	ssyncadd.s32 $0xFFFFFFFF  }
0xa2: {  	s24 =	simm.s32 $execute0_lowered;
	[smem:$0x3FD2] =	sst s23  }
0xa3: {  	s2 =	sshll.u32 s24, $0x1;
	_ =	strace $0x80000046;
	[dreg:$0x1] =	wrdreg $0xFFFFFFFF  }
0xa4: {  	s25 =	simm.s32 $_size_execute0_lowered;
	s0 =	sadd.s32 s0, s2;
	[dreg:$0x0] =	wrdreg $0x0  }
0xa5: {  	s2 =	sshll.u32 s25, $0x1;
	[dreg:$0x2] =	wrdreg s0  }
0xa6: {  	[dreg:$0x3] =	wrdreg s2  }
0xa7: {  	[dreg:$0x4] =	wrdreg $0xC0  }
0xa8: {  	_ =	task [dreg:s4], $0x5FFFF  }
0xa9: {  	[dreg:$0x1] =	wrdreg $0xFFFFFFFF  }
0xaa: {  	[dreg:$0x0] =	wrdreg $0x60  }
0xab: {  	[dreg:$0x2] =	wrdreg s22  }
0xac: {  	[dreg:$0x3] =	wrdreg $0x9  }
0xad: {  	_ =	task.clear_ibuf [dreg:s4], $0x4FFFF;
	_ =	strace $0x90000046  }
0xae: {  	s26 =	simm.s32 $0x9;
	_ =	strace $0x80000048  }
0xaf: {  	_ =	swait.ge [sflag:s26], $0x1  }
0xb0: {  	[sflag:s26] =	ssyncadd.s32 $0xFFFFFFFF  }
0xb1: {  	_ =	strace $0x90000048  }
0xb2: {  	_ =	sfence  }
0xb3: {  	s28 =	sld [smem:$0x0];
	_ =	sdelay $0x1  }
0xb4: {  	s29 =	srdreg.scid  }
0xb5: {  	s30 =	sshll.u32 s29, $0xD;
	s31 =	sshrl.u32 s29, $0x2  }
0xb6: {  	s1 =	sand.u32 $0x1, s29;
	s2 =	sand.u32 $0x4000, s30;
	s0 =	sadd.s32 s31, s28  }
0xb7: {  	s1 =	sor.u32 s2, s1;
	s0 =	sshll.u32 s0, $0x11  }
0xb8: {  	s0 =	sor.u32 s0, s1  }
0xb9: {  	s0 =	sadd.s32 $0x8F2B, s0  }
0xba: {  	[sflag:s0] =	ssyncadd.remote.s32 $0x1  }
0xbb: {  	_ =	sfence.sel $0xFFFF  }
0xbc: {  	[dreg:$0x0] =	wrdreg $0xFFFFFFFF;
	(pc) =	sbr.abs _section_cstart, $3  }
0xbd: {  	[dreg:$0x1] =	wrdreg $0xFFFFFFFF  }
0xbe: {  	_ =	task.clear_ibuf [dreg:s4], $0x2FFFF;
	_ =	strace $0x9FFFFFFF  }
0xbf: {  	(tm) =	ssettm $0x7FFFFFFF  }
tec
execute0_lowered:
.L_overlay_start_1:
0x0: {  	(tag) =	ssettag $0x1  }
0x1: {  	s2 =	rddreg [dreg:$0x0]  }
0x2: {  	s0 =	rddreg [dreg:$0x1];
	_ =	strace $0x80000047;
	s3 =	stileid.u32  }
0x3: {  	s4 =	simm.s32 $0x3E;
	s1 =	sadd.s32 $0x2800, s2;
	p0 =	sne.s32 s3, $0x0  }
0x4: {  	[sflag:s4] =	ssyncpa.u1 $0x0;
	s5 =	simm.s32 @!p0 $0x1C3E;
	s6 =	simm.s32 @!p0 $0x0  }
0x5: {  	[spmem:s6], [sflag:s5] =	dma.local @!p0 [hbm:s1], $0x20  }
0x6: {  	s5 =	simm.s32 @!p0 $0x3E  }
0x7: {  	_ =	swait.ge @!p0 [sflag:s5], $0x20  }
0x8: {  	[sflag:s5] =	ssyncset.done @!p0 $0x0  }
0x9: {  	[sflag:s5] =	ssyncadd.s32 @!p0 $0xFFFFFFE0  }
0xa: {  	s28 =	simm.s32 $0x1;
	s29 =	simm.s32 $0x2;
	[bflag:$0x0] =	sbarrier.arrive $0xFFFF  }
0xb: {  	s7 =	simm.s32 $0x410;
	s3 =	sshll.u32 s3, $0x7;
	[sflag:s4] =	ssyncpa.u1 $0x1  }
0xc: {  	s30 =	sadd.s32 $0x2A00, s2;
	s31 =	sadd.s32 s2, s3;
	[sflag:s28] =	ssyncpa.u1 $0x0  }
0xd: {  	s2 =	simm.s32 $0x0;
	(ifvalue) =	ssetifvalue $0x100;
	[sflag:s29] =	ssyncpa.u1 $0x0  }
0xe: {  	[tilespmem:s7], [sflag:$0x2] =	stream.linear.gather [hbm4b:s31+s2], $0x400, $0x38;
	[tilespmem:$0x1010] =	vst v63  }
0xf: {  	s5 =	sadd.s32 s30, s3;
	s3 =	simm.s32 $0xC10  }
0x10: {  	[tilespmem:s3], [sflag:$0x2] =	stream.linear.gather [hbm4b:s5+s2], $0x400, $0x38;
	[tilespmem:$0x1010] =	vst v63  }
0x11: {  	_ =	swait.ge [sflag:s29], $0x800  }
0x12: {  	[sflag:s29] =	ssyncset.done $0x0  }
0x13: {  	[sflag:s29] =	ssyncadd.s32 $0xFFFFF800  }
0x14: {  	v0 =	vld.msk [tilespmem:s7+$0x0 ss:$0x1], $0xffff;
	_ =	sdelay $0x4  }
0x15: {  	v0 =	vmin.u32 v0, $0x100;
	_ =	sdelay $0x3  }
0x16: {  	vm0 =	vmmov $0xffff;
	s4 =	simm.s32 $0x0;
	s5 =	simm.s32 $0x420  }
0x17: {  	[spmem:s2] =	stream.indirect_vreg.scatter.add.s32 [tilespmem:s3], [sflag:$0x1], $0x1, v0, vm0, $0x4038;
	[tilespmem:$0x1010] =	vst v63  }
.LBB2_1:
0x18: {  	v0 =	vld.msk [tilespmem:s5+$0x0 ss:$0x1], $0xffff;
	s4 =	sadd.s32 $0x10, s4  }
0x19: {  	p1 =	slt.u32 s4, $0x3F0;
	_ =	sdelay $0x4  }
0x1a: {  	v0 =	vmin.u32 v0, $0x100  }
.Ltmp0:
0x1b: {  	(pc) =	sbr.rel @p1 .LBB2_1-.Ltmp0, $3  }
0x1c: {  	_ =	sdelay $0x1  }
0x1d: {  	s5 =	sadd.s32 $0x10, s5;
	s3 =	sadd.s32 $0x10, s3  }
0x1e: {  	[spmem:s2] =	stream.indirect_vreg.scatter.add.s32 [tilespmem:s3], [sflag:$0x1], $0x1, v0, vm0, $0x4038;
	[tilespmem:$0x1010] =	vst v63  }
0x1f: {  	s2 =	simm.s32 $0x1  }
0x20: {  	_ =	swait.ge [sflag:s2], $0x400  }
0x21: {  	[sflag:s2] =	ssyncset.done $0x0  }
0x22: {  	[sflag:s2] =	ssyncadd.s32 $0xFFFFFC00  }
0x23: {  	_ =	sfence.sel $0x180000  }
0x24: {  	s3 =	simm.s32 $0x2;
	[bflag:$0x0] =	sbarrier.arrive $0xFFFF  }
0x25: {  	[sflag:s3] =	ssyncpa.u1 $0x1  }
0x26: {  	[sflag:s2] =	ssyncpa.u1 $0x1  }
0x27: {  	_ =	sfence.stream.spmem  }
0x28: {  	s31 =	simm.s32 $0x3D;
	[bflag:$0x0] =	sbarrier.arrive $0xFFFF  }
0x29: {  	s2 =	simm.s32 @p0 $0x3D;
	[sflag:s31] =	ssyncpa.u1 $0x0  }
0x2a: {  	[sflag:s2] =	ssyncpa.u1 @p0 $0x1  }
0x2b: {  	[bflag:$0x0] =	sbarrier.arrive @p0 $0xFFFF  }
0x2c: {  	_ =	strace @p0 $0x90000047  }
0x2d: {  	s3 =	simm.s32 @!p0 $0x1C3D;
	s2 =	simm.s32 @!p0 $0x0;
	[bflag:$0x2] =	sbarrier.arrive @p0 $0xFFFF  }
0x2e: {  	[hbm:s1], [sflag:s3] =	dma.local @!p0 [spmem:s2], $0x20  }
0x2f: {  	s1 =	simm.s32 @!p0 $0x3D  }
0x30: {  	_ =	swait.ge @!p0 [sflag:s1], $0x20  }
0x31: {  	[sflag:s1] =	ssyncset.done @!p0 $0x0  }
0x32: {  	[sflag:s1] =	ssyncadd.s32 @!p0 $0xFFFFFFE0  }
0x33: {  	[sflag:s1] =	ssyncpa.u1 @!p0 $0x1  }
0x34: {  	[bflag:$0x0] =	sbarrier.arrive @!p0 $0xFFFF  }
0x35: {  	_ =	strace @!p0 $0x90000047  }
0x36: {  	s0 =	sadd.s32 @!p0 $0x100000, s0;
	[bflag:$0x2] =	sbarrier.arrive @!p0 $0xFFFF  }
0x37: {  	[sflag:s0] =	ssyncadd.tile.s32 @!p0 $0x1;
	_ =	shalt  }
.Lfunc_end2:
_tile_overlayer_lowered:
.L_overlay_start_2:
0x38: {  	(tag) =	ssettag $0x2  }
0x39: {  	s0 =	rddreg [dreg:$0x0];
	s2 =	stileid.u32  }
0x3a: {  	s1 =	rddreg [dreg:$0x1];
	p0 =	sne.s32 s2, $0x0  }
0x3b: {  	s3 =	rddreg [dreg:$0x2];
	[bflag:$0x3] =	sbarrier.arrive $0xFFFF;
	s2 =	simm.s32 @!p0 $0x1C01  }
0x3c: {  	[timem:s3], [sflag:s2] =	dma.local @!p0 [hbm:s0], s1  }
0x3d: {  	s0 =	simm.s32 @!p0 $0x1  }
0x3e: {  	_ =	swait.ge @!p0 [sflag:s0], s1  }
0x3f: {  	s1 =	ssub.s32 @!p0 $0x0, s1;
	[sflag:s0] =	ssyncset.done @!p0 $0x0  }
0x40: {  	[sflag:s0] =	ssyncadd.s32 @!p0 s1  }
0x41: {  	[bflag:$0x3] =	sbarrier.arrive $0xFFFF  }
0x42: {  	_ =	shalt  }

</sc_bundles>
